<compile_context>
chip_gen: v7x
topology: tpu7x:2x2x1
jax: 0.10.2.dev20260603
libtpu: 0.0.44.dev20260713+nightly
codegen_flags: <defaults>
</compile_context>

<pallas_src>
import functools

import jax
import jax.numpy as jnp
from jax import lax
from jax.experimental import pallas as pl
from jax.experimental.pallas import tpu as pltpu
from jax.experimental.pallas import tpu_sc as plsc

_B = 8
_N = 20000
_PRE = 12000
_POST = 2000
_K = 512
_PAD = 12288
_NB = _PAD // _K
_NEG = -1e30
_TH = 0.7
_MINSZ = 16.0


def _decode_body(dx, dy, dw, dh, obj, a0, a1, a2, a3, hw,
                 x1o, y1o, x2o, y2o, so):
    h = hw[0, 0]
    w = hw[0, 1]
    widths = a2[...] - a0[...] + 1.0
    heights = a3[...] - a1[...] + 1.0
    ctr_x = a0[...] + 0.5 * widths
    ctr_y = a1[...] + 0.5 * heights
    pred_ctr_x = dx[...] * widths + ctr_x
    pred_ctr_y = dy[...] * heights + ctr_y
    pred_w = jnp.exp(dw[...]) * widths
    pred_h = jnp.exp(dh[...]) * heights
    x1 = jnp.clip(pred_ctr_x - 0.5 * pred_w, 0.0, w - 1.0)
    y1 = jnp.clip(pred_ctr_y - 0.5 * pred_h, 0.0, h - 1.0)
    x2 = jnp.clip(pred_ctr_x + 0.5 * pred_w, 0.0, w - 1.0)
    y2 = jnp.clip(pred_ctr_y + 0.5 * pred_h, 0.0, h - 1.0)
    keep = ((x2 - x1) >= _MINSZ) & ((y2 - y1) >= _MINSZ)
    x1o[...] = x1
    y1o[...] = y1
    x2o[...] = x2
    y2o[...] = y2
    so[...] = jnp.where(keep, obj[...], _NEG)


def _decode(rpn_bbox_pred, objectness, anchors, hw):
    f32 = jnp.float32
    outs = [jax.ShapeDtypeStruct((_B, _N), f32) for _ in range(5)]
    dx = rpn_bbox_pred[:, :, 0]
    dy = rpn_bbox_pred[:, :, 1]
    dw = rpn_bbox_pred[:, :, 2]
    dh = rpn_bbox_pred[:, :, 3]
    a0 = anchors[None, :, 0]
    a1 = anchors[None, :, 1]
    a2 = anchors[None, :, 2]
    a3 = anchors[None, :, 3]
    return pl.pallas_call(
        _decode_body,
        out_shape=tuple(outs),
    )(dx, dy, dw, dh, objectness, a0, a1, a2, a3, hw)


def _iou_tile(cx1, cy1, cx2, cy2, carea, rx1, ry1, rx2, ry2, rarea):
    xx1 = jnp.maximum(cx1, rx1)
    yy1 = jnp.maximum(cy1, ry1)
    xx2 = jnp.minimum(cx2, rx2)
    yy2 = jnp.minimum(cy2, ry2)
    inter = jnp.clip(xx2 - xx1, 0.0) * jnp.clip(yy2 - yy1, 0.0)
    iou = inter / (carea + rarea - inter + 1e-9)
    return (iou > _TH).astype(jnp.float32)


def _nms_body(x1r, y1r, x2r, y2r, sr, kept_ref):
    K = _K
    upper = (lax.broadcasted_iota(jnp.int32, (K, K), 0) <
             lax.broadcasted_iota(jnp.int32, (K, K), 1)).astype(jnp.float32)
    lower = (lax.broadcasted_iota(jnp.int32, (K, K), 0) >
             lax.broadcasted_iota(jnp.int32, (K, K), 1)).astype(jnp.float32)

    kept_ref[...] = jnp.zeros((1, 1, _PAD), jnp.float32)

    def transpose_rows(rows):
        return jnp.transpose(rows)

    def transpose_col(col):
        return jnp.transpose(col)

    def block_step(state):
        b, count = state
        i0 = b * K
        bx1 = x1r[0, 0:1, pl.ds(i0, K)]
        by1 = y1r[0, 0:1, pl.ds(i0, K)]
        bx2 = x2r[0, 0:1, pl.ds(i0, K)]
        by2 = y2r[0, 0:1, pl.ds(i0, K)]
        bs = sr[0, 0:1, pl.ds(i0, K)]
        cols = transpose_rows(
            jnp.concatenate([bx1, by1, bx2, by2, bs], axis=0))
        cx1 = cols[:, 0:1]
        cy1 = cols[:, 1:2]
        cx2 = cols[:, 2:3]
        cy2 = cols[:, 3:4]
        cs = cols[:, 4:5]
        carea = (cx2 - cx1) * (cy2 - cy1)
        barea = (bx2 - bx1) * (by2 - by1)
        valid_row = (bs > (_NEG * 0.5)).astype(jnp.float32)
        valid_col = (cs > (_NEG * 0.5)).astype(jnp.float32)

        def prev_step(p, act_col):
            j0 = p * K
            px1 = x1r[0, 0:1, pl.ds(j0, K)]
            py1 = y1r[0, 0:1, pl.ds(j0, K)]
            px2 = x2r[0, 0:1, pl.ds(j0, K)]
            py2 = y2r[0, 0:1, pl.ds(j0, K)]
            parea = (px2 - px1) * (py2 - py1)
            pk = kept_ref[0, 0:1, pl.ds(j0, K)]
            s = _iou_tile(cx1, cy1, cx2, cy2, carea,
                          px1, py1, px2, py2, parea)
            supp = jnp.max(s * pk, axis=1, keepdims=True)
            return act_col * (1.0 - supp)

        act_col = lax.fori_loop(0, b, prev_step, valid_col)
        act_row = transpose_col(act_col)

        s_sym = _iou_tile(cx1, cy1, cx2, cy2, carea,
                          bx1, by1, bx2, by2, barea)
        s_up = s_sym * upper
        s_lo = s_sym * lower

        def fix_cond(st):
            _, _, changed, it = st
            return changed & (it < K + 8)

        def fix_body(st):
            k_row, k_col, _, it = st
            supp_row = jnp.max(s_up * k_col, axis=0, keepdims=True)
            supp_col = jnp.max(s_lo * k_row, axis=1, keepdims=True)
            k_row_n = act_row * (1.0 - supp_row)
            k_col_n = act_col * (1.0 - supp_col)
            changed = jnp.any(k_row_n != k_row)
            return k_row_n, k_col_n, changed, it + 1

        k_row, k_col, _, _ = lax.while_loop(
            fix_cond, fix_body,
            (act_row, act_col, jnp.bool_(True), jnp.int32(0)))
        kept_ref[0, 0:1, pl.ds(i0, K)] = k_row
        count = count + jnp.sum(k_row)
        return b + 1, count

    def block_cond(state):
        b, count = state
        return (b < _NB) & (count < jnp.float32(_POST))

    lax.while_loop(block_cond, block_step, (jnp.int32(0), jnp.float32(0.0)))


def _nms(x1s, y1s, x2s, y2s, ss):
    spec = pl.BlockSpec((1, 1, _PAD), lambda b: (b, 0, 0))
    r = lambda v: v.reshape(_B, 1, _PAD)
    out = pl.pallas_call(
        _nms_body,
        grid=(_B,),
        in_specs=[spec] * 5,
        out_specs=spec,
        out_shape=jax.ShapeDtypeStruct((_B, 1, _PAD), jnp.float32),
    )(r(x1s), r(y1s), r(x2s), r(y2s), r(ss))
    return out.reshape(_B, _PAD)


_SENT = 2047


def _compact_sc(dest, x1s, y1s, x2s, y2s):
    i32 = jnp.int32
    f32 = jnp.float32
    mesh = plsc.VectorSubcoreMesh(core_axis_name="c", subcore_axis_name="s")
    zeros = jnp.zeros((2048 * 4,), f32)

    @functools.partial(
        pl.kernel, mesh=mesh,
        compiler_params=pltpu.CompilerParams(use_tc_tiling_on_sc=False,
                                             needs_layout_passes=False),
        out_type=jax.ShapeDtypeStruct((_B, _POST * 4), f32),
        scratch_types=[
            pltpu.VMEM((_PAD,), i32),
            pltpu.VMEM((_PAD,), f32),
            pltpu.VMEM((_PAD,), f32),
            pltpu.VMEM((_PAD,), f32),
            pltpu.VMEM((_PAD,), f32),
            pltpu.VMEM((2048 * 4,), f32),
        ],
    )
    def body(dest_hbm, x1h, y1h, x2h, y2h, z_hbm, out_hbm,
             dv, v0, v1, v2, v3, outbuf):
        wid = lax.axis_index("s") * 2 + lax.axis_index("c")

        @pl.when(wid < _B)
        def _():
            pltpu.sync_copy(dest_hbm.at[wid], dv)
            pltpu.sync_copy(x1h.at[wid], v0)
            pltpu.sync_copy(y1h.at[wid], v1)
            pltpu.sync_copy(x2h.at[wid], v2)
            pltpu.sync_copy(y2h.at[wid], v3)
            pltpu.sync_copy(z_hbm, outbuf)

            def step(t, carry):
                base = t * 16
                d16 = dv[pl.ds(base, 16)]
                fx = d16 * 4
                plsc.store_scatter(outbuf, [fx], v0[pl.ds(base, 16)])
                plsc.store_scatter(outbuf, [fx + 1], v1[pl.ds(base, 16)])
                plsc.store_scatter(outbuf, [fx + 2], v2[pl.ds(base, 16)])
                plsc.store_scatter(outbuf, [fx + 3], v3[pl.ds(base, 16)])
                return carry

            lax.fori_loop(0, _PAD // 16, step, 0)
            pltpu.sync_copy(outbuf.at[pl.ds(0, _POST * 4)], out_hbm.at[wid])

    return body(dest, x1s, y1s, x2s, y2s, zeros)


def kernel(rpn_bbox_pred, objectness, anchors, im_height, im_width):
    f32 = jnp.float32
    hw = jnp.stack([jnp.asarray(im_height, f32),
                    jnp.asarray(im_width, f32)]).reshape(1, 2)
    x1, y1, x2, y2, scores = _decode(rpn_bbox_pred, objectness, anchors, hw)

    _, order = lax.top_k(scores, _PRE)
    ssort = jnp.take_along_axis(scores, order, axis=1)
    pad = ((0, 0), (0, _PAD - _PRE))
    ssort = jnp.pad(ssort, pad, constant_values=_NEG)
    planes = []
    for v in (x1, y1, x2, y2):
        vs = jnp.take_along_axis(v, order, axis=1)
        planes.append(jnp.pad(vs, pad))
    x1s, y1s, x2s, y2s = planes

    kept = _nms(x1s, y1s, x2s, y2s, ssort)

    keptb = kept > 0.5
    pos = jnp.cumsum(keptb.astype(jnp.int32), axis=1) - 1
    dest = jnp.where(keptb & (pos < _POST), pos, _SENT)
    out = _compact_sc(dest, x1s, y1s, x2s, y2s)
    return out.reshape(_B, _POST, 4)

# --- scband reference (transcript-rebuilt; emitter-appended) ---
"""Pipeline reference for scband-proposal-layer-3977139716956 (READ-ONLY COPY).

The authoritative reference and input builder live on the scoring server;
editing this copy changes nothing except your own understanding.
"""

import jax, jax.numpy as jnp
import numpy as np

B = 8
N = 20000
IMH = 1024
IMW = 1024
PRE_NMS_TOPN = 12000
POST_NMS_TOPN = 2000
NMS_THRESH = 0.7
MIN_BOX_SIZE = 16.0
NEG = -1e30


def setup_inputs(seed: int = 0) -> dict:
    key = jax.random.key(seed)
    k1, k2, k3, k4 = jax.random.split(key, 4)
    rpn_bbox_pred = jax.random.normal(k1, (B, N, 4), dtype=jnp.float32) * 0.2
    objectness = jax.random.normal(k2, (B, N), dtype=jnp.float32)
    # well-formed anchors: random centers inside image, sizes in [16, 256]
    cxcy = jax.random.uniform(k3, (N, 2), dtype=jnp.float32) * jnp.array([IMW, IMH], dtype=jnp.float32)
    wh = 16.0 + jax.random.uniform(k4, (N, 2), dtype=jnp.float32) * 240.0
    anchors = jnp.concatenate([cxcy - 0.5 * wh, cxcy + 0.5 * wh], axis=1)
    return {"rpn_bbox_pred": rpn_bbox_pred, "objectness": objectness, "anchors": anchors, "im_height": IMH, "im_width": IMW}


def bbox_transform_inv(anchors, deltas):
    widths = anchors[:, 2] - anchors[:, 0] + 1.0
    heights = anchors[:, 3] - anchors[:, 1] + 1.0
    ctr_x = anchors[:, 0] + 0.5 * widths
    ctr_y = anchors[:, 1] + 0.5 * heights
    dx, dy, dw, dh = deltas[:, 0], deltas[:, 1], deltas[:, 2], deltas[:, 3]
    pred_ctr_x = dx * widths + ctr_x
    pred_ctr_y = dy * heights + ctr_y
    pred_w = jnp.exp(dw) * widths
    pred_h = jnp.exp(dh) * heights
    return jnp.stack([pred_ctr_x - 0.5 * pred_w,
                      pred_ctr_y - 0.5 * pred_h,
                      pred_ctr_x + 0.5 * pred_w,
                      pred_ctr_y + 0.5 * pred_h], axis=1)


def clip_boxes(boxes, h, w):
    x1 = jnp.clip(boxes[:, 0], 0.0, w - 1.0)
    y1 = jnp.clip(boxes[:, 1], 0.0, h - 1.0)
    x2 = jnp.clip(boxes[:, 2], 0.0, w - 1.0)
    y2 = jnp.clip(boxes[:, 3], 0.0, h - 1.0)
    return jnp.stack([x1, y1, x2, y2], axis=1)


def nms_single(boxes, scores):
    # boxes: (PRE_NMS_TOPN, 4) sorted by descending score; scores: (PRE_NMS_TOPN,)
    valid0 = scores > (NEG * 0.5)
    keep0 = jnp.full((POST_NMS_TOPN,), -1, dtype=jnp.int32)
    areas = (boxes[:, 2] - boxes[:, 0]) * (boxes[:, 3] - boxes[:, 1])

    def body(i, state):
        keep, valid = state
        ms = jnp.where(valid, scores, -jnp.inf)
        best = jnp.argmax(ms)
        has = ms[best] > -jnp.inf
        keep = keep.at[i].set(jnp.where(has, best.astype(jnp.int32), jnp.int32(-1)))
        b = boxes[best]
        xx1 = jnp.maximum(b[0], boxes[:, 0])
        yy1 = jnp.maximum(b[1], boxes[:, 1])
        xx2 = jnp.minimum(b[2], boxes[:, 2])
        yy2 = jnp.minimum(b[3], boxes[:, 3])
        inter = jnp.clip(xx2 - xx1, 0.0) * jnp.clip(yy2 - yy1, 0.0)
        area_b = (b[2] - b[0]) * (b[3] - b[1])
        iou = inter / (area_b + areas - inter + 1e-9)
        suppress = (iou > NMS_THRESH) & has
        valid = valid & jnp.logical_not(suppress)
        valid = valid.at[best].set(valid[best] & jnp.logical_not(has))
        return keep, valid

    keep, _ = jax.lax.fori_loop(0, POST_NMS_TOPN, body, (keep0, valid0))
    mask = keep >= 0
    idx = jnp.clip(keep, 0)
    props = jnp.take(boxes, idx, axis=0) * mask[:, None].astype(boxes.dtype)
    return props


def reference(rpn_bbox_pred, objectness, anchors, im_height, im_width):
    batch = rpn_bbox_pred.shape[0]
    deltas = rpn_bbox_pred.reshape(-1, 4)
    anc = jnp.tile(anchors, (batch, 1))
    proposals = bbox_transform_inv(anc, deltas)
    proposals = clip_boxes(proposals, jnp.asarray(im_height, jnp.float32), jnp.asarray(im_width, jnp.float32))
    proposals = proposals.reshape(batch, -1, 4)
    ws = proposals[..., 2] - proposals[..., 0]
    hs = proposals[..., 3] - proposals[..., 1]
    keep = (ws >= MIN_BOX_SIZE) & (hs >= MIN_BOX_SIZE)
    scores = jnp.where(keep, objectness, NEG)
    order = jnp.argsort(-scores, axis=1)[:, :PRE_NMS_TOPN]
    sorted_scores = jnp.take_along_axis(scores, order, axis=1)
    sorted_boxes = jnp.take_along_axis(proposals, order[..., None], axis=1)
    batch_proposals = jax.vmap(nms_single)(sorted_boxes, sorted_scores)
    return batch_proposals  # (B, POST_NMS_TOPN, 4), zero-padded where fewer boxes survive

if __name__ == "__main__":
    import jax
    _d = setup_inputs()
    print(jax.jit(kernel)(*tuple(_d.values())))

</pallas_src>

<mosaic_0001>
#map = affine_map<(d0, d1) -> (0, 0)>
#map1 = affine_map<(d0, d1) -> (0)>
module attributes {stable_mosaic.version = 14 : i64} {
  func.func @body(%arg0: i32, %arg1: i32, %arg2: memref<8x12288xi32, #tpu.memory_space<hbm>>, %arg3: memref<8x12288xf32, #tpu.memory_space<hbm>>, %arg4: memref<8x12288xf32, #tpu.memory_space<hbm>>, %arg5: memref<8x12288xf32, #tpu.memory_space<hbm>>, %arg6: memref<8x12288xf32, #tpu.memory_space<hbm>>, %arg7: memref<8192xf32, #tpu.memory_space<hbm>>, %arg8: memref<8x8000xf32, #tpu.memory_space<hbm>>, %arg9: memref<12288xi32, #tpu.memory_space<vmem>>, %arg10: memref<12288xf32, #tpu.memory_space<vmem>>, %arg11: memref<12288xf32, #tpu.memory_space<vmem>>, %arg12: memref<12288xf32, #tpu.memory_space<vmem>>, %arg13: memref<12288xf32, #tpu.memory_space<vmem>>, %arg14: memref<8192xf32, #tpu.memory_space<vmem>>) attributes {dimension_semantics = [#tpu.dimension_semantics<core_parallel>, #tpu.dimension_semantics<subcore_parallel>], iteration_bounds = array<i64: 2, 16>, scalar_prefetch = 0 : i64, scratch_operands = 6 : i64, tpu.core_type = #tpu.core_type<sc_vector_subcore>, window_params = [{transform_indices = #map}, {transform_indices = #map}, {transform_indices = #map}, {transform_indices = #map}, {transform_indices = #map}, {transform_indices = #map1}, {transform_indices = #map}]} {
    %mul3A = arith.constant 2 : i32
    %mul3A_0 = arith.muli %arg1, %mul3A : i32
    %add3A = arith.addi %mul3A_0, %arg0 : i32
    %lt3A = arith.constant 8 : i32
    %lt3A_1 = arith.cmpi slt, %add3A, %lt3A : i32
    %convert_element_type3A = arith.extui %lt3A_1 : i1 to i32
    %cond3A = arith.constant 0 : i32
    %cond3A_2 = arith.cmpi ne, %convert_element_type3A, %cond3A : i32
    scf.if %cond3A_2 {
      "tpu.region"() ({
        %run_scoped3A = tpu.sem_alloc : memref<!tpu.dma_semaphore, #tpu.memory_space<semaphore_mem>>
        %dma_start3A = arith.constant 0 : i32
        %dma_start3A_8 = tpu.memref_slice %arg2[%add3A, %dma_start3A] : memref<8x12288xi32, #tpu.memory_space<hbm>> -> memref<1x12288xi32, #tpu.memory_space<hbm>>
        %dma_start3A_9 = tpu.memref_squeeze %dma_start3A_8 : memref<1x12288xi32, #tpu.memory_space<hbm>> -> memref<12288xi32, #tpu.memory_space<hbm>>
        %dma_start3A_10 = arith.constant 0 : i32
        %dma_start3A_11 = tpu.memref_slice %arg2[%add3A, %dma_start3A_10] : memref<8x12288xi32, #tpu.memory_space<hbm>> -> memref<1x12288xi32, #tpu.memory_space<hbm>>
        %dma_start3A_12 = tpu.memref_squeeze %dma_start3A_11 : memref<1x12288xi32, #tpu.memory_space<hbm>> -> memref<12288xi32, #tpu.memory_space<hbm>>
        tpu.enqueue_dma source(%dma_start3A_12 : memref<12288xi32, #tpu.memory_space<hbm>>) target(%arg9 : memref<12288xi32, #tpu.memory_space<vmem>>) target_semaphore(%run_scoped3A : memref<!tpu.dma_semaphore, #tpu.memory_space<semaphore_mem>>)
        %dma_wait3A = arith.constant 0 : i32
        %dma_wait3A_13 = tpu.memref_slice %arg2[%add3A, %dma_wait3A] : memref<8x12288xi32, #tpu.memory_space<hbm>> -> memref<1x12288xi32, #tpu.memory_space<hbm>>
        %dma_wait3A_14 = tpu.memref_squeeze %dma_wait3A_13 : memref<1x12288xi32, #tpu.memory_space<hbm>> -> memref<12288xi32, #tpu.memory_space<hbm>>
        %dma_wait3A_15 = arith.constant 0 : i32
        %dma_wait3A_16 = tpu.memref_slice %arg2[%add3A, %dma_wait3A_15] : memref<8x12288xi32, #tpu.memory_space<hbm>> -> memref<1x12288xi32, #tpu.memory_space<hbm>>
        %dma_wait3A_17 = tpu.memref_squeeze %dma_wait3A_16 : memref<1x12288xi32, #tpu.memory_space<hbm>> -> memref<12288xi32, #tpu.memory_space<hbm>>
        tpu.wait_dma2 semaphore(%run_scoped3A : memref<!tpu.dma_semaphore, #tpu.memory_space<semaphore_mem>>) src(%dma_wait3A_17 : memref<12288xi32, #tpu.memory_space<hbm>>) dst(%arg9 : memref<12288xi32, #tpu.memory_space<vmem>>)
        tpu.yield
      }) : () -> ()
      "tpu.region"() ({
        %run_scoped3A = tpu.sem_alloc : memref<!tpu.dma_semaphore, #tpu.memory_space<semaphore_mem>>
        %dma_start3A = arith.constant 0 : i32
        %dma_start3A_8 = tpu.memref_slice %arg3[%add3A, %dma_start3A] : memref<8x12288xf32, #tpu.memory_space<hbm>> -> memref<1x12288xf32, #tpu.memory_space<hbm>>
        %dma_start3A_9 = tpu.memref_squeeze %dma_start3A_8 : memref<1x12288xf32, #tpu.memory_space<hbm>> -> memref<12288xf32, #tpu.memory_space<hbm>>
        %dma_start3A_10 = arith.constant 0 : i32
        %dma_start3A_11 = tpu.memref_slice %arg3[%add3A, %dma_start3A_10] : memref<8x12288xf32, #tpu.memory_space<hbm>> -> memref<1x12288xf32, #tpu.memory_space<hbm>>
        %dma_start3A_12 = tpu.memref_squeeze %dma_start3A_11 : memref<1x12288xf32, #tpu.memory_space<hbm>> -> memref<12288xf32, #tpu.memory_space<hbm>>
        tpu.enqueue_dma source(%dma_start3A_12 : memref<12288xf32, #tpu.memory_space<hbm>>) target(%arg10 : memref<12288xf32, #tpu.memory_space<vmem>>) target_semaphore(%run_scoped3A : memref<!tpu.dma_semaphore, #tpu.memory_space<semaphore_mem>>)
        %dma_wait3A = arith.constant 0 : i32
        %dma_wait3A_13 = tpu.memref_slice %arg3[%add3A, %dma_wait3A] : memref<8x12288xf32, #tpu.memory_space<hbm>> -> memref<1x12288xf32, #tpu.memory_space<hbm>>
        %dma_wait3A_14 = tpu.memref_squeeze %dma_wait3A_13 : memref<1x12288xf32, #tpu.memory_space<hbm>> -> memref<12288xf32, #tpu.memory_space<hbm>>
        %dma_wait3A_15 = arith.constant 0 : i32
        %dma_wait3A_16 = tpu.memref_slice %arg3[%add3A, %dma_wait3A_15] : memref<8x12288xf32, #tpu.memory_space<hbm>> -> memref<1x12288xf32, #tpu.memory_space<hbm>>
        %dma_wait3A_17 = tpu.memref_squeeze %dma_wait3A_16 : memref<1x12288xf32, #tpu.memory_space<hbm>> -> memref<12288xf32, #tpu.memory_space<hbm>>
        tpu.wait_dma2 semaphore(%run_scoped3A : memref<!tpu.dma_semaphore, #tpu.memory_space<semaphore_mem>>) src(%dma_wait3A_17 : memref<12288xf32, #tpu.memory_space<hbm>>) dst(%arg10 : memref<12288xf32, #tpu.memory_space<vmem>>)
        tpu.yield
      }) : () -> ()
      "tpu.region"() ({
        %run_scoped3A = tpu.sem_alloc : memref<!tpu.dma_semaphore, #tpu.memory_space<semaphore_mem>>
        %dma_start3A = arith.constant 0 : i32
        %dma_start3A_8 = tpu.memref_slice %arg4[%add3A, %dma_start3A] : memref<8x12288xf32, #tpu.memory_space<hbm>> -> memref<1x12288xf32, #tpu.memory_space<hbm>>
        %dma_start3A_9 = tpu.memref_squeeze %dma_start3A_8 : memref<1x12288xf32, #tpu.memory_space<hbm>> -> memref<12288xf32, #tpu.memory_space<hbm>>
        %dma_start3A_10 = arith.constant 0 : i32
        %dma_start3A_11 = tpu.memref_slice %arg4[%add3A, %dma_start3A_10] : memref<8x12288xf32, #tpu.memory_space<hbm>> -> memref<1x12288xf32, #tpu.memory_space<hbm>>
        %dma_start3A_12 = tpu.memref_squeeze %dma_start3A_11 : memref<1x12288xf32, #tpu.memory_space<hbm>> -> memref<12288xf32, #tpu.memory_space<hbm>>
        tpu.enqueue_dma source(%dma_start3A_12 : memref<12288xf32, #tpu.memory_space<hbm>>) target(%arg11 : memref<12288xf32, #tpu.memory_space<vmem>>) target_semaphore(%run_scoped3A : memref<!tpu.dma_semaphore, #tpu.memory_space<semaphore_mem>>)
        %dma_wait3A = arith.constant 0 : i32
        %dma_wait3A_13 = tpu.memref_slice %arg4[%add3A, %dma_wait3A] : memref<8x12288xf32, #tpu.memory_space<hbm>> -> memref<1x12288xf32, #tpu.memory_space<hbm>>
        %dma_wait3A_14 = tpu.memref_squeeze %dma_wait3A_13 : memref<1x12288xf32, #tpu.memory_space<hbm>> -> memref<12288xf32, #tpu.memory_space<hbm>>
        %dma_wait3A_15 = arith.constant 0 : i32
        %dma_wait3A_16 = tpu.memref_slice %arg4[%add3A, %dma_wait3A_15] : memref<8x12288xf32, #tpu.memory_space<hbm>> -> memref<1x12288xf32, #tpu.memory_space<hbm>>
        %dma_wait3A_17 = tpu.memref_squeeze %dma_wait3A_16 : memref<1x12288xf32, #tpu.memory_space<hbm>> -> memref<12288xf32, #tpu.memory_space<hbm>>
        tpu.wait_dma2 semaphore(%run_scoped3A : memref<!tpu.dma_semaphore, #tpu.memory_space<semaphore_mem>>) src(%dma_wait3A_17 : memref<12288xf32, #tpu.memory_space<hbm>>) dst(%arg11 : memref<12288xf32, #tpu.memory_space<vmem>>)
        tpu.yield
      }) : () -> ()
      "tpu.region"() ({
        %run_scoped3A = tpu.sem_alloc : memref<!tpu.dma_semaphore, #tpu.memory_space<semaphore_mem>>
        %dma_start3A = arith.constant 0 : i32
        %dma_start3A_8 = tpu.memref_slice %arg5[%add3A, %dma_start3A] : memref<8x12288xf32, #tpu.memory_space<hbm>> -> memref<1x12288xf32, #tpu.memory_space<hbm>>
        %dma_start3A_9 = tpu.memref_squeeze %dma_start3A_8 : memref<1x12288xf32, #tpu.memory_space<hbm>> -> memref<12288xf32, #tpu.memory_space<hbm>>
        %dma_start3A_10 = arith.constant 0 : i32
        %dma_start3A_11 = tpu.memref_slice %arg5[%add3A, %dma_start3A_10] : memref<8x12288xf32, #tpu.memory_space<hbm>> -> memref<1x12288xf32, #tpu.memory_space<hbm>>
        %dma_start3A_12 = tpu.memref_squeeze %dma_start3A_11 : memref<1x12288xf32, #tpu.memory_space<hbm>> -> memref<12288xf32, #tpu.memory_space<hbm>>
        tpu.enqueue_dma source(%dma_start3A_12 : memref<12288xf32, #tpu.memory_space<hbm>>) target(%arg12 : memref<12288xf32, #tpu.memory_space<vmem>>) target_semaphore(%run_scoped3A : memref<!tpu.dma_semaphore, #tpu.memory_space<semaphore_mem>>)
        %dma_wait3A = arith.constant 0 : i32
        %dma_wait3A_13 = tpu.memref_slice %arg5[%add3A, %dma_wait3A] : memref<8x12288xf32, #tpu.memory_space<hbm>> -> memref<1x12288xf32, #tpu.memory_space<hbm>>
        %dma_wait3A_14 = tpu.memref_squeeze %dma_wait3A_13 : memref<1x12288xf32, #tpu.memory_space<hbm>> -> memref<12288xf32, #tpu.memory_space<hbm>>
        %dma_wait3A_15 = arith.constant 0 : i32
        %dma_wait3A_16 = tpu.memref_slice %arg5[%add3A, %dma_wait3A_15] : memref<8x12288xf32, #tpu.memory_space<hbm>> -> memref<1x12288xf32, #tpu.memory_space<hbm>>
        %dma_wait3A_17 = tpu.memref_squeeze %dma_wait3A_16 : memref<1x12288xf32, #tpu.memory_space<hbm>> -> memref<12288xf32, #tpu.memory_space<hbm>>
        tpu.wait_dma2 semaphore(%run_scoped3A : memref<!tpu.dma_semaphore, #tpu.memory_space<semaphore_mem>>) src(%dma_wait3A_17 : memref<12288xf32, #tpu.memory_space<hbm>>) dst(%arg12 : memref<12288xf32, #tpu.memory_space<vmem>>)
        tpu.yield
      }) : () -> ()
      "tpu.region"() ({
        %run_scoped3A = tpu.sem_alloc : memref<!tpu.dma_semaphore, #tpu.memory_space<semaphore_mem>>
        %dma_start3A = arith.constant 0 : i32
        %dma_start3A_8 = tpu.memref_slice %arg6[%add3A, %dma_start3A] : memref<8x12288xf32, #tpu.memory_space<hbm>> -> memref<1x12288xf32, #tpu.memory_space<hbm>>
        %dma_start3A_9 = tpu.memref_squeeze %dma_start3A_8 : memref<1x12288xf32, #tpu.memory_space<hbm>> -> memref<12288xf32, #tpu.memory_space<hbm>>
        %dma_start3A_10 = arith.constant 0 : i32
        %dma_start3A_11 = tpu.memref_slice %arg6[%add3A, %dma_start3A_10] : memref<8x12288xf32, #tpu.memory_space<hbm>> -> memref<1x12288xf32, #tpu.memory_space<hbm>>
        %dma_start3A_12 = tpu.memref_squeeze %dma_start3A_11 : memref<1x12288xf32, #tpu.memory_space<hbm>> -> memref<12288xf32, #tpu.memory_space<hbm>>
        tpu.enqueue_dma source(%dma_start3A_12 : memref<12288xf32, #tpu.memory_space<hbm>>) target(%arg13 : memref<12288xf32, #tpu.memory_space<vmem>>) target_semaphore(%run_scoped3A : memref<!tpu.dma_semaphore, #tpu.memory_space<semaphore_mem>>)
        %dma_wait3A = arith.constant 0 : i32
        %dma_wait3A_13 = tpu.memref_slice %arg6[%add3A, %dma_wait3A] : memref<8x12288xf32, #tpu.memory_space<hbm>> -> memref<1x12288xf32, #tpu.memory_space<hbm>>
        %dma_wait3A_14 = tpu.memref_squeeze %dma_wait3A_13 : memref<1x12288xf32, #tpu.memory_space<hbm>> -> memref<12288xf32, #tpu.memory_space<hbm>>
        %dma_wait3A_15 = arith.constant 0 : i32
        %dma_wait3A_16 = tpu.memref_slice %arg6[%add3A, %dma_wait3A_15] : memref<8x12288xf32, #tpu.memory_space<hbm>> -> memref<1x12288xf32, #tpu.memory_space<hbm>>
        %dma_wait3A_17 = tpu.memref_squeeze %dma_wait3A_16 : memref<1x12288xf32, #tpu.memory_space<hbm>> -> memref<12288xf32, #tpu.memory_space<hbm>>
        tpu.wait_dma2 semaphore(%run_scoped3A : memref<!tpu.dma_semaphore, #tpu.memory_space<semaphore_mem>>) src(%dma_wait3A_17 : memref<12288xf32, #tpu.memory_space<hbm>>) dst(%arg13 : memref<12288xf32, #tpu.memory_space<vmem>>)
        tpu.yield
      }) : () -> ()
      "tpu.region"() ({
        %run_scoped3A = tpu.sem_alloc : memref<!tpu.dma_semaphore, #tpu.memory_space<semaphore_mem>>
        tpu.enqueue_dma source(%arg7 : memref<8192xf32, #tpu.memory_space<hbm>>) target(%arg14 : memref<8192xf32, #tpu.memory_space<vmem>>) target_semaphore(%run_scoped3A : memref<!tpu.dma_semaphore, #tpu.memory_space<semaphore_mem>>)
        tpu.wait_dma2 semaphore(%run_scoped3A : memref<!tpu.dma_semaphore, #tpu.memory_space<semaphore_mem>>) src(%arg7 : memref<8192xf32, #tpu.memory_space<hbm>>) dst(%arg14 : memref<8192xf32, #tpu.memory_space<vmem>>)
        tpu.yield
      }) : () -> ()
      %scan3A = arith.constant 0 : i32
      %scan3A_3 = arith.constant 0 : i32
      %scan3A_4 = arith.constant 768 : i32
      %scan3A_5 = arith.addi %scan3A_3, %scan3A_4 : i32
      %scan3A_6 = arith.constant 1 : i32
      scf.for %scan3A_8 = %scan3A_3 to %scan3A_5 step %scan3A_6  : i32 {
        %mul3A_9 = arith.constant 16 : i32
        %mul3A_10 = arith.muli %scan3A_8, %mul3A_9 : i32
        %get3A = arith.index_cast %mul3A_10 : i32 to index
        %get3A_11 = tpu.vector_load %arg9[%get3A] {strides = array<i32>} : memref<12288xi32, #tpu.memory_space<vmem>>, vector<16xi32>,
        %mul3A_12 = arith.constant 4 : i32
        %mul3A_13 = vector.broadcast %mul3A_12 : i32 to vector<16xi32>
        %mul3A_14 = arith.muli %get3A_11, %mul3A_13 : vector<16xi32>
        %get3A_15 = arith.index_cast %mul3A_10 : i32 to index
        %get3A_16 = tpu.vector_load %arg10[%get3A_15] {strides = array<i32>} : memref<12288xf32, #tpu.memory_space<vmem>>, vector<16xf32>,
        tpu.vector_store_idx %arg14[%mul3A_14], %get3A_16 : memref<8192xf32, #tpu.memory_space<vmem>>[vector<16xi32>], vector<16xf32>,
        %add3A_17 = arith.constant 1 : i32
        %add3A_18 = vector.broadcast %add3A_17 : i32 to vector<16xi32>
        %add3A_19 = arith.addi %mul3A_14, %add3A_18 : vector<16xi32>
        %get3A_20 = arith.index_cast %mul3A_10 : i32 to index
        %get3A_21 = tpu.vector_load %arg11[%get3A_20] {strides = array<i32>} : memref<12288xf32, #tpu.memory_space<vmem>>, vector<16xf32>,
        tpu.vector_store_idx %arg14[%add3A_19], %get3A_21 : memref<8192xf32, #tpu.memory_space<vmem>>[vector<16xi32>], vector<16xf32>,
        %add3A_22 = arith.constant 2 : i32
        %add3A_23 = vector.broadcast %add3A_22 : i32 to vector<16xi32>
        %add3A_24 = arith.addi %mul3A_14, %add3A_23 : vector<16xi32>
        %get3A_25 = arith.index_cast %mul3A_10 : i32 to index
        %get3A_26 = tpu.vector_load %arg12[%get3A_25] {strides = array<i32>} : memref<12288xf32, #tpu.memory_space<vmem>>, vector<16xf32>,
        tpu.vector_store_idx %arg14[%add3A_24], %get3A_26 : memref<8192xf32, #tpu.memory_space<vmem>>[vector<16xi32>], vector<16xf32>,
        %add3A_27 = arith.constant 3 : i32
        %add3A_28 = vector.broadcast %add3A_27 : i32 to vector<16xi32>
        %add3A_29 = arith.addi %mul3A_14, %add3A_28 : vector<16xi32>
        %get3A_30 = arith.index_cast %mul3A_10 : i32 to index
        %get3A_31 = tpu.vector_load %arg13[%get3A_30] {strides = array<i32>} : memref<12288xf32, #tpu.memory_space<vmem>>, vector<16xf32>,
        tpu.vector_store_idx %arg14[%add3A_29], %get3A_31 : memref<8192xf32, #tpu.memory_space<vmem>>[vector<16xi32>], vector<16xf32>,
      }
      %scan3A_7 = arith.constant 768 : i32
      "tpu.region"() ({
        %run_scoped3A = tpu.sem_alloc : memref<!tpu.dma_semaphore, #tpu.memory_space<semaphore_mem>>
        %dma_start3A = arith.constant 0 : i32
        %dma_start3A_8 = tpu.memref_slice %arg14[%dma_start3A] : memref<8192xf32, #tpu.memory_space<vmem>> -> memref<8000xf32, #tpu.memory_space<vmem>>
        %dma_start3A_9 = arith.constant 0 : i32
        %dma_start3A_10 = tpu.memref_slice %arg8[%add3A, %dma_start3A_9] : memref<8x8000xf32, #tpu.memory_space<hbm>> -> memref<1x8000xf32, #tpu.memory_space<hbm>>
        %dma_start3A_11 = tpu.memref_squeeze %dma_start3A_10 : memref<1x8000xf32, #tpu.memory_space<hbm>> -> memref<8000xf32, #tpu.memory_space<hbm>>
        %dma_start3A_12 = arith.constant 0 : i32
        %dma_start3A_13 = tpu.memref_slice %arg8[%add3A, %dma_start3A_12] : memref<8x8000xf32, #tpu.memory_space<hbm>> -> memref<1x8000xf32, #tpu.memory_space<hbm>>
        %dma_start3A_14 = tpu.memref_squeeze %dma_start3A_13 : memref<1x8000xf32, #tpu.memory_space<hbm>> -> memref<8000xf32, #tpu.memory_space<hbm>>
        %dma_start3A_15 = arith.constant 0 : i32
        %dma_start3A_16 = tpu.memref_slice %arg14[%dma_start3A_15] : memref<8192xf32, #tpu.memory_space<vmem>> -> memref<8000xf32, #tpu.memory_space<vmem>>
        tpu.enqueue_dma source(%dma_start3A_16 : memref<8000xf32, #tpu.memory_space<vmem>>) target(%dma_start3A_14 : memref<8000xf32, #tpu.memory_space<hbm>>) target_semaphore(%run_scoped3A : memref<!tpu.dma_semaphore, #tpu.memory_space<semaphore_mem>>)
        %dma_wait3A = arith.constant 0 : i32
        %dma_wait3A_17 = tpu.memref_slice %arg14[%dma_wait3A] : memref<8192xf32, #tpu.memory_space<vmem>> -> memref<8000xf32, #tpu.memory_space<vmem>>
        %dma_wait3A_18 = arith.constant 0 : i32
        %dma_wait3A_19 = tpu.memref_slice %arg8[%add3A, %dma_wait3A_18] : memref<8x8000xf32, #tpu.memory_space<hbm>> -> memref<1x8000xf32, #tpu.memory_space<hbm>>
        %dma_wait3A_20 = tpu.memref_squeeze %dma_wait3A_19 : memref<1x8000xf32, #tpu.memory_space<hbm>> -> memref<8000xf32, #tpu.memory_space<hbm>>
        %dma_wait3A_21 = arith.constant 0 : i32
        %dma_wait3A_22 = tpu.memref_slice %arg8[%add3A, %dma_wait3A_21] : memref<8x8000xf32, #tpu.memory_space<hbm>> -> memref<1x8000xf32, #tpu.memory_space<hbm>>
        %dma_wait3A_23 = tpu.memref_squeeze %dma_wait3A_22 : memref<1x8000xf32, #tpu.memory_space<hbm>> -> memref<8000xf32, #tpu.memory_space<hbm>>
        %dma_wait3A_24 = arith.constant 0 : i32
        %dma_wait3A_25 = tpu.memref_slice %arg14[%dma_wait3A_24] : memref<8192xf32, #tpu.memory_space<vmem>> -> memref<8000xf32, #tpu.memory_space<vmem>>
        tpu.wait_dma2 semaphore(%run_scoped3A : memref<!tpu.dma_semaphore, #tpu.memory_space<semaphore_mem>>) src(%dma_wait3A_25 : memref<8000xf32, #tpu.memory_space<vmem>>) dst(%dma_wait3A_23 : memref<8000xf32, #tpu.memory_space<hbm>>)
        tpu.yield
      }) : () -> ()
    } else {
    }
    return
  }
}

module attributes {stable_mosaic.version = 14 : i64} {
  func.func @_decode_body(%arg0: memref<8x20000xf32, #tpu.memory_space<vmem>>, %arg1: memref<8x20000xf32, #tpu.memory_space<vmem>>, %arg2: memref<8x20000xf32, #tpu.memory_space<vmem>>, %arg3: memref<8x20000xf32, #tpu.memory_space<vmem>>, %arg4: memref<8x20000xf32, #tpu.memory_space<vmem>>, %arg5: memref<1x20000xf32, #tpu.memory_space<vmem>>, %arg6: memref<1x20000xf32, #tpu.memory_space<vmem>>, %arg7: memref<1x20000xf32, #tpu.memory_space<vmem>>, %arg8: memref<1x20000xf32, #tpu.memory_space<vmem>>, %arg9: memref<1x2xf32, #tpu.memory_space<vmem>>, %arg10: memref<8x20000xf32, #tpu.memory_space<vmem>>, %arg11: memref<8x20000xf32, #tpu.memory_space<vmem>>, %arg12: memref<8x20000xf32, #tpu.memory_space<vmem>>, %arg13: memref<8x20000xf32, #tpu.memory_space<vmem>>, %arg14: memref<8x20000xf32, #tpu.memory_space<vmem>>) attributes {dimension_semantics = [], scalar_prefetch = 0 : i64, scratch_operands = 0 : i64, tpu.core_type = #tpu.core_type<tc>} {
    %get3A = arith.constant 0 : index
    %get3A_0 = arith.constant 0 : index
    %get3A_1 = vector.load %arg9[%get3A, %get3A_0] : memref<1x2xf32, #tpu.memory_space<vmem>>, vector<1x1xf32>
    %get3A_2 = vector.extract %get3A_1[0, 0] : f32 from vector<1x1xf32>
    %get3A_3 = arith.constant 0 : index
    %get3A_4 = arith.constant 1 : index
    %get3A_5 = vector.load %arg9[%get3A_3, %get3A_4] : memref<1x2xf32, #tpu.memory_space<vmem>>, vector<1x1xf32>
    %get3A_6 = vector.extract %get3A_5[0, 0] : f32 from vector<1x1xf32>
    %get3A_7 = arith.constant 0 : index
    %get3A_8 = arith.constant 0 : index
    %get3A_9 = vector.load %arg7[%get3A_7, %get3A_8] : memref<1x20000xf32, #tpu.memory_space<vmem>>, vector<1x20000xf32>
    %get3A_10 = arith.constant 0 : index
    %get3A_11 = arith.constant 0 : index
    %get3A_12 = vector.load %arg5[%get3A_10, %get3A_11] : memref<1x20000xf32, #tpu.memory_space<vmem>>, vector<1x20000xf32>
    %sub3A = arith.subf %get3A_9, %get3A_12 : vector<1x20000xf32>
    %add3A = arith.constant 1.000000e+00 : f32
    %add3A_13 = vector.broadcast %add3A : f32 to vector<1x20000xf32>
    %add3A_14 = arith.addf %sub3A, %add3A_13 : vector<1x20000xf32>
    %get3A_15 = arith.constant 0 : index
    %get3A_16 = arith.constant 0 : index
    %get3A_17 = vector.load %arg8[%get3A_15, %get3A_16] : memref<1x20000xf32, #tpu.memory_space<vmem>>, vector<1x20000xf32>
    %get3A_18 = arith.constant 0 : index
    %get3A_19 = arith.constant 0 : index
    %get3A_20 = vector.load %arg6[%get3A_18, %get3A_19] : memref<1x20000xf32, #tpu.memory_space<vmem>>, vector<1x20000xf32>
    %sub3A_21 = arith.subf %get3A_17, %get3A_20 : vector<1x20000xf32>
    %add3A_22 = arith.constant 1.000000e+00 : f32
    %add3A_23 = vector.broadcast %add3A_22 : f32 to vector<1x20000xf32>
    %add3A_24 = arith.addf %sub3A_21, %add3A_23 : vector<1x20000xf32>
    %get3A_25 = arith.constant 0 : index
    %get3A_26 = arith.constant 0 : index
    %get3A_27 = vector.load %arg5[%get3A_25, %get3A_26] : memref<1x20000xf32, #tpu.memory_space<vmem>>, vector<1x20000xf32>
    %mul3A = arith.constant 5.000000e-01 : f32
    %mul3A_28 = vector.broadcast %mul3A : f32 to vector<1x20000xf32>
    %mul3A_29 = arith.mulf %mul3A_28, %add3A_14 : vector<1x20000xf32>
    %add3A_30 = arith.addf %get3A_27, %mul3A_29 : vector<1x20000xf32>
    %get3A_31 = arith.constant 0 : index
    %get3A_32 = arith.constant 0 : index
    %get3A_33 = vector.load %arg6[%get3A_31, %get3A_32] : memref<1x20000xf32, #tpu.memory_space<vmem>>, vector<1x20000xf32>
    %mul3A_34 = arith.constant 5.000000e-01 : f32
    %mul3A_35 = vector.broadcast %mul3A_34 : f32 to vector<1x20000xf32>
    %mul3A_36 = arith.mulf %mul3A_35, %add3A_24 : vector<1x20000xf32>
    %add3A_37 = arith.addf %get3A_33, %mul3A_36 : vector<1x20000xf32>
    %get3A_38 = arith.constant 0 : index
    %get3A_39 = arith.constant 0 : index
    %get3A_40 = vector.load %arg0[%get3A_38, %get3A_39] : memref<8x20000xf32, #tpu.memory_space<vmem>>, vector<8x20000xf32>
    %mul3A_41 = vector.broadcast %add3A_14 : vector<1x20000xf32> to vector<8x20000xf32>
    %mul3A_42 = arith.mulf %get3A_40, %mul3A_41 : vector<8x20000xf32>
    %add3A_43 = vector.broadcast %add3A_30 : vector<1x20000xf32> to vector<8x20000xf32>
    %add3A_44 = arith.addf %mul3A_42, %add3A_43 : vector<8x20000xf32>
    %get3A_45 = arith.constant 0 : index
    %get3A_46 = arith.constant 0 : index
    %get3A_47 = vector.load %arg1[%get3A_45, %get3A_46] : memref<8x20000xf32, #tpu.memory_space<vmem>>, vector<8x20000xf32>
    %mul3A_48 = vector.broadcast %add3A_24 : vector<1x20000xf32> to vector<8x20000xf32>
    %mul3A_49 = arith.mulf %get3A_47, %mul3A_48 : vector<8x20000xf32>
    %add3A_50 = vector.broadcast %add3A_37 : vector<1x20000xf32> to vector<8x20000xf32>
    %add3A_51 = arith.addf %mul3A_49, %add3A_50 : vector<8x20000xf32>
    %get3A_52 = arith.constant 0 : index
    %get3A_53 = arith.constant 0 : index
    %get3A_54 = vector.load %arg2[%get3A_52, %get3A_53] : memref<8x20000xf32, #tpu.memory_space<vmem>>, vector<8x20000xf32>
    %exp3A = math.exp %get3A_54 : vector<8x20000xf32>
    %mul3A_55 = vector.broadcast %add3A_14 : vector<1x20000xf32> to vector<8x20000xf32>
    %mul3A_56 = arith.mulf %exp3A, %mul3A_55 : vector<8x20000xf32>
    %get3A_57 = arith.constant 0 : index
    %get3A_58 = arith.constant 0 : index
    %get3A_59 = vector.load %arg3[%get3A_57, %get3A_58] : memref<8x20000xf32, #tpu.memory_space<vmem>>, vector<8x20000xf32>
    %exp3A_60 = math.exp %get3A_59 : vector<8x20000xf32>
    %mul3A_61 = vector.broadcast %add3A_24 : vector<1x20000xf32> to vector<8x20000xf32>
    %mul3A_62 = arith.mulf %exp3A_60, %mul3A_61 : vector<8x20000xf32>
    %mul3A_63 = arith.constant 5.000000e-01 : f32
    %mul3A_64 = vector.broadcast %mul3A_63 : f32 to vector<8x20000xf32>
    %mul3A_65 = arith.mulf %mul3A_64, %mul3A_56 : vector<8x20000xf32>
    %sub3A_66 = arith.subf %add3A_44, %mul3A_65 : vector<8x20000xf32>
    %sub3A_67 = arith.constant 1.000000e+00 : f32
    %sub3A_68 = arith.subf %get3A_6, %sub3A_67 : f32
    %jit3A = arith.constant 0.000000e+00 : f32
    %max3A = vector.broadcast %jit3A : f32 to vector<8x20000xf32>
    %max3A_69 = arith.maximumf %max3A, %sub3A_66 : vector<8x20000xf32>
    %min3A = vector.broadcast %sub3A_68 : f32 to vector<8x20000xf32>
    %min3A_70 = arith.minimumf %min3A, %max3A_69 : vector<8x20000xf32>
    %mul3A_71 = arith.constant 5.000000e-01 : f32
    %mul3A_72 = vector.broadcast %mul3A_71 : f32 to vector<8x20000xf32>
    %mul3A_73 = arith.mulf %mul3A_72, %mul3A_62 : vector<8x20000xf32>
    %sub3A_74 = arith.subf %add3A_51, %mul3A_73 : vector<8x20000xf32>
    %sub3A_75 = arith.constant 1.000000e+00 : f32
    %sub3A_76 = arith.subf %get3A_2, %sub3A_75 : f32
    %jit3A_77 = arith.constant 0.000000e+00 : f32
    %max3A_78 = vector.broadcast %jit3A_77 : f32 to vector<8x20000xf32>
    %max3A_79 = arith.maximumf %max3A_78, %sub3A_74 : vector<8x20000xf32>
    %min3A_80 = vector.broadcast %sub3A_76 : f32 to vector<8x20000xf32>
    %min3A_81 = arith.minimumf %min3A_80, %max3A_79 : vector<8x20000xf32>
    %mul3A_82 = arith.constant 5.000000e-01 : f32
    %mul3A_83 = vector.broadcast %mul3A_82 : f32 to vector<8x20000xf32>
    %mul3A_84 = arith.mulf %mul3A_83, %mul3A_56 : vector<8x20000xf32>
    %add3A_85 = arith.addf %add3A_44, %mul3A_84 : vector<8x20000xf32>
    %sub3A_86 = arith.constant 1.000000e+00 : f32
    %sub3A_87 = arith.subf %get3A_6, %sub3A_86 : f32
    %jit3A_88 = arith.constant 0.000000e+00 : f32
    %max3A_89 = vector.broadcast %jit3A_88 : f32 to vector<8x20000xf32>
    %max3A_90 = arith.maximumf %max3A_89, %add3A_85 : vector<8x20000xf32>
    %min3A_91 = vector.broadcast %sub3A_87 : f32 to vector<8x20000xf32>
    %min3A_92 = arith.minimumf %min3A_91, %max3A_90 : vector<8x20000xf32>
    %mul3A_93 = arith.constant 5.000000e-01 : f32
    %mul3A_94 = vector.broadcast %mul3A_93 : f32 to vector<8x20000xf32>
    %mul3A_95 = arith.mulf %mul3A_94, %mul3A_62 : vector<8x20000xf32>
    %add3A_96 = arith.addf %add3A_51, %mul3A_95 : vector<8x20000xf32>
    %sub3A_97 = arith.constant 1.000000e+00 : f32
    %sub3A_98 = arith.subf %get3A_2, %sub3A_97 : f32
    %jit3A_99 = arith.constant 0.000000e+00 : f32
    %max3A_100 = vector.broadcast %jit3A_99 : f32 to vector<8x20000xf32>
    %max3A_101 = arith.maximumf %max3A_100, %add3A_96 : vector<8x20000xf32>
    %min3A_102 = vector.broadcast %sub3A_98 : f32 to vector<8x20000xf32>
    %min3A_103 = arith.minimumf %min3A_102, %max3A_101 : vector<8x20000xf32>
    %sub3A_104 = arith.subf %min3A_92, %min3A_70 : vector<8x20000xf32>
    %ge3A = arith.constant 1.600000e+01 : f32
    %ge3A_105 = vector.broadcast %ge3A : f32 to vector<8x20000xf32>
    %ge3A_106 = arith.cmpf oge, %sub3A_104, %ge3A_105 : vector<8x20000xf32>
    %sub3A_107 = arith.subf %min3A_103, %min3A_81 : vector<8x20000xf32>
    %ge3A_108 = arith.constant 1.600000e+01 : f32
    %ge3A_109 = vector.broadcast %ge3A_108 : f32 to vector<8x20000xf32>
    %ge3A_110 = arith.cmpf oge, %sub3A_107, %ge3A_109 : vector<8x20000xf32>
    %and3A = arith.andi %ge3A_106, %ge3A_110 : vector<8x20000xi1>
    %swap3A = arith.constant 0 : index
    %swap3A_111 = arith.constant 0 : index
    %swap3A_112 = vector.load %arg10[%swap3A, %swap3A_111] : memref<8x20000xf32, #tpu.memory_space<vmem>>, vector<8x20000xf32>
    tpu.vector_store %arg10[%swap3A, %swap3A_111], %min3A_70 {strides = array<i32>} : memref<8x20000xf32, #tpu.memory_space<vmem>>, vector<8x20000xf32>,
    %swap3A_113 = arith.constant 0 : index
    %swap3A_114 = arith.constant 0 : index
    %swap3A_115 = vector.load %arg11[%swap3A_113, %swap3A_114] : memref<8x20000xf32, #tpu.memory_space<vmem>>, vector<8x20000xf32>
    tpu.vector_store %arg11[%swap3A_113, %swap3A_114], %min3A_81 {strides = array<i32>} : memref<8x20000xf32, #tpu.memory_space<vmem>>, vector<8x20000xf32>,
    %swap3A_116 = arith.constant 0 : index
    %swap3A_117 = arith.constant 0 : index
    %swap3A_118 = vector.load %arg12[%swap3A_116, %swap3A_117] : memref<8x20000xf32, #tpu.memory_space<vmem>>, vector<8x20000xf32>
    tpu.vector_store %arg12[%swap3A_116, %swap3A_117], %min3A_92 {strides = array<i32>} : memref<8x20000xf32, #tpu.memory_space<vmem>>, vector<8x20000xf32>,
    %swap3A_119 = arith.constant 0 : index
    %swap3A_120 = arith.constant 0 : index
    %swap3A_121 = vector.load %arg13[%swap3A_119, %swap3A_120] : memref<8x20000xf32, #tpu.memory_space<vmem>>, vector<8x20000xf32>
    tpu.vector_store %arg13[%swap3A_119, %swap3A_120], %min3A_103 {strides = array<i32>} : memref<8x20000xf32, #tpu.memory_space<vmem>>, vector<8x20000xf32>,
    %get3A_122 = arith.constant 0 : index
    %get3A_123 = arith.constant 0 : index
    %get3A_124 = vector.load %arg4[%get3A_122, %get3A_123] : memref<8x20000xf32, #tpu.memory_space<vmem>>, vector<8x20000xf32>
    %jit3A_125 = arith.constant -1.000000e+30 : f32
    %broadcast_in_dim3A = vector.broadcast %jit3A_125 : f32 to vector<8x20000xf32>
    %select_n3A = arith.select %and3A, %get3A_124, %broadcast_in_dim3A : vector<8x20000xi1>, vector<8x20000xf32>
    %swap3A_126 = arith.constant 0 : index
    %swap3A_127 = arith.constant 0 : index
    %swap3A_128 = vector.load %arg14[%swap3A_126, %swap3A_127] : memref<8x20000xf32, #tpu.memory_space<vmem>>, vector<8x20000xf32>
    tpu.vector_store %arg14[%swap3A_126, %swap3A_127], %select_n3A {strides = array<i32>} : memref<8x20000xf32, #tpu.memory_space<vmem>>, vector<8x20000xf32>,
    return
  }
}

module attributes {stable_mosaic.version = 14 : i64} {
  func.func @_nms_body(%arg0: i32, %arg1: memref<1x1x12288xf32, #tpu.memory_space<vmem>>, %arg2: memref<1x1x12288xf32, #tpu.memory_space<vmem>>, %arg3: memref<1x1x12288xf32, #tpu.memory_space<vmem>>, %arg4: memref<1x1x12288xf32, #tpu.memory_space<vmem>>, %arg5: memref<1x1x12288xf32, #tpu.memory_space<vmem>>, %arg6: memref<1x1x12288xf32, #tpu.memory_space<vmem>>) attributes {dimension_semantics = [#tpu.dimension_semantics<arbitrary>], iteration_bounds = array<i64: 8>, scalar_prefetch = 0 : i64, scratch_operands = 0 : i64, tpu.core_type = #tpu.core_type<tc>, window_params = [{transform_indices = @transform_0, window_bounds = array<i64: 1, 1, 12288>}, {transform_indices = @transform_1, window_bounds = array<i64: 1, 1, 12288>}, {transform_indices = @transform_2, window_bounds = array<i64: 1, 1, 12288>}, {transform_indices = @transform_3, window_bounds = array<i64: 1, 1, 12288>}, {transform_indices = @transform_4, window_bounds = array<i64: 1, 1, 12288>}, {transform_indices = @transform_5, window_bounds = array<i64: 1, 1, 12288>}]} {
    %iota3A = tpu.iota {dimensions = array<i32: 0>} : vector<512x512xi32>
    %iota3A_0 = tpu.iota {dimensions = array<i32: 1>} : vector<512x512xi32>
    %lt3A = arith.cmpi slt, %iota3A, %iota3A_0 : vector<512x512xi32>
    %convert_element_type3A = arith.extui %lt3A : vector<512x512xi1> to vector<512x512xi32>
    %convert_element_type3A_1 = arith.sitofp %convert_element_type3A : vector<512x512xi32> to vector<512x512xf32>
    %iota3A_2 = tpu.iota {dimensions = array<i32: 0>} : vector<512x512xi32>
    %iota3A_3 = tpu.iota {dimensions = array<i32: 1>} : vector<512x512xi32>
    %gt3A = arith.cmpi sgt, %iota3A_2, %iota3A_3 : vector<512x512xi32>
    %convert_element_type3A_4 = arith.extui %gt3A : vector<512x512xi1> to vector<512x512xi32>
    %convert_element_type3A_5 = arith.sitofp %convert_element_type3A_4 : vector<512x512xi32> to vector<512x512xf32>
    %broadcast_in_dim3A = arith.constant 0.000000e+00 : f32
    %broadcast_in_dim3A_6 = vector.broadcast %broadcast_in_dim3A : f32 to vector<1x1x12288xf32>
    %swap3A = arith.constant 0 : index
    %swap3A_7 = arith.constant 0 : index
    %swap3A_8 = arith.constant 0 : index
    %swap3A_9 = vector.load %arg6[%swap3A, %swap3A_7, %swap3A_8] : memref<1x1x12288xf32, #tpu.memory_space<vmem>>, vector<1x1x12288xf32>
    tpu.vector_store %arg6[%swap3A, %swap3A_7, %swap3A_8], %broadcast_in_dim3A_6 {strides = array<i32>} : memref<1x1x12288xf32, #tpu.memory_space<vmem>>, vector<1x1x12288xf32>,
    %while3A = arith.constant 0 : i32
    %while3A_10 = arith.constant 0.000000e+00 : f32
    %while3A_11:2 = scf.while (%while3A_12 = %while3A, %while3A_13 = %while3A_10) : (i32, f32) -> (i32, f32) {
      %lt3A_14 = arith.constant 24 : i32
      %lt3A_15 = arith.cmpi slt, %while3A_12, %lt3A_14 : i32
      %lt3A_16 = arith.constant 2.000000e+03 : f32
      %lt3A_17 = arith.cmpf olt, %while3A_13, %lt3A_16 : f32
      %and3A = arith.andi %lt3A_15, %lt3A_17 : i1
      scf.condition(%and3A) %while3A_12, %while3A_13 : i32, f32
    } do {
    ^bb0(%while3A_12: i32, %while3A_13: f32):
      %mul3A = arith.constant 512 : i32
      %mul3A_14 = arith.muli %while3A_12, %mul3A : i32
      %get3A = arith.constant 0 : index
      %get3A_15 = arith.constant 0 : index
      %get3A_16 = arith.index_cast %mul3A_14 : i32 to index
      %get3A_17 = vector.load %arg1[%get3A, %get3A_15, %get3A_16] : memref<1x1x12288xf32, #tpu.memory_space<vmem>>, vector<1x1x512xf32>
      %get3A_18 = vector.shape_cast %get3A_17 : vector<1x1x512xf32> to vector<1x512xf32>
      %get3A_19 = arith.constant 0 : index
      %get3A_20 = arith.constant 0 : index
      %get3A_21 = arith.index_cast %mul3A_14 : i32 to index
      %get3A_22 = vector.load %arg2[%get3A_19, %get3A_20, %get3A_21] : memref<1x1x12288xf32, #tpu.memory_space<vmem>>, vector<1x1x512xf32>
      %get3A_23 = vector.shape_cast %get3A_22 : vector<1x1x512xf32> to vector<1x512xf32>
      %get3A_24 = arith.constant 0 : index
      %get3A_25 = arith.constant 0 : index
      %get3A_26 = arith.index_cast %mul3A_14 : i32 to index
      %get3A_27 = vector.load %arg3[%get3A_24, %get3A_25, %get3A_26] : memref<1x1x12288xf32, #tpu.memory_space<vmem>>, vector<1x1x512xf32>
      %get3A_28 = vector.shape_cast %get3A_27 : vector<1x1x512xf32> to vector<1x512xf32>
      %get3A_29 = arith.constant 0 : index
      %get3A_30 = arith.constant 0 : index
      %get3A_31 = arith.index_cast %mul3A_14 : i32 to index
      %get3A_32 = vector.load %arg4[%get3A_29, %get3A_30, %get3A_31] : memref<1x1x12288xf32, #tpu.memory_space<vmem>>, vector<1x1x512xf32>
      %get3A_33 = vector.shape_cast %get3A_32 : vector<1x1x512xf32> to vector<1x512xf32>
      %get3A_34 = arith.constant 0 : index
      %get3A_35 = arith.constant 0 : index
      %get3A_36 = arith.index_cast %mul3A_14 : i32 to index
      %get3A_37 = vector.load %arg5[%get3A_34, %get3A_35, %get3A_36] : memref<1x1x12288xf32, #tpu.memory_space<vmem>>, vector<1x1x512xf32>
      %get3A_38 = vector.shape_cast %get3A_37 : vector<1x1x512xf32> to vector<1x512xf32>
      %concatenate3A = tpu.concatenate %get3A_18, %get3A_23, %get3A_28, %get3A_33, %get3A_38 in 0 : vector<1x512xf32>, vector<1x512xf32>, vector<1x512xf32>, vector<1x512xf32>, vector<1x512xf32> -> vector<5x512xf32>
      %transpose3A = tpu.transpose %concatenate3A, [1, 0] : vector<5x512xf32> -> vector<512x5xf32>
      %slice3A = vector.extract_strided_slice %transpose3A {offsets = [0, 0], sizes = [512, 1], strides = [1, 1]} : vector<512x5xf32> to vector<512x1xf32>
      %slice3A_39 = vector.extract_strided_slice %transpose3A {offsets = [0, 1], sizes = [512, 1], strides = [1, 1]} : vector<512x5xf32> to vector<512x1xf32>
      %slice3A_40 = vector.extract_strided_slice %transpose3A {offsets = [0, 2], sizes = [512, 1], strides = [1, 1]} : vector<512x5xf32> to vector<512x1xf32>
      %slice3A_41 = vector.extract_strided_slice %transpose3A {offsets = [0, 3], sizes = [512, 1], strides = [1, 1]} : vector<512x5xf32> to vector<512x1xf32>
      %slice3A_42 = vector.extract_strided_slice %transpose3A {offsets = [0, 4], sizes = [512, 1], strides = [1, 1]} : vector<512x5xf32> to vector<512x1xf32>
      %sub3A = arith.subf %slice3A_40, %slice3A : vector<512x1xf32>
      %sub3A_43 = arith.subf %slice3A_41, %slice3A_39 : vector<512x1xf32>
      %mul3A_44 = arith.mulf %sub3A, %sub3A_43 : vector<512x1xf32>
      %sub3A_45 = arith.subf %get3A_28, %get3A_18 : vector<1x512xf32>
      %sub3A_46 = arith.subf %get3A_33, %get3A_23 : vector<1x512xf32>
      %mul3A_47 = arith.mulf %sub3A_45, %sub3A_46 : vector<1x512xf32>
      %gt3A_48 = arith.constant -5.000000e+29 : f32
      %gt3A_49 = vector.broadcast %gt3A_48 : f32 to vector<1x512xf32>
      %gt3A_50 = arith.cmpf ogt, %get3A_38, %gt3A_49 : vector<1x512xf32>
      %convert_element_type3A_51 = arith.extui %gt3A_50 : vector<1x512xi1> to vector<1x512xi32>
      %convert_element_type3A_52 = arith.sitofp %convert_element_type3A_51 : vector<1x512xi32> to vector<1x512xf32>
      %gt3A_53 = arith.constant -5.000000e+29 : f32
      %gt3A_54 = vector.broadcast %gt3A_53 : f32 to vector<512x1xf32>
      %gt3A_55 = arith.cmpf ogt, %slice3A_42, %gt3A_54 : vector<512x1xf32>
      %convert_element_type3A_56 = arith.extui %gt3A_55 : vector<512x1xi1> to vector<512x1xi32>
      %convert_element_type3A_57 = arith.sitofp %convert_element_type3A_56 : vector<512x1xi32> to vector<512x1xf32>
      %while3A_58 = arith.constant 0 : i32
      %while3A_59 = arith.subi %while3A_12, %while3A_58 : i32
      %while3A_60 = arith.addi %while3A_58, %while3A_59 : i32
      %while3A_61 = arith.constant 1 : i32
      %while3A_62 = arith.divsi %while3A_59, %while3A_61 : i32
      %while3A_63 = arith.muli %while3A_62, %while3A_61 : i32
      %while3A_64 = arith.addi %while3A_58, %while3A_63 : i32
      %while3A_65 = arith.constant 1 : i32
      %while3A_66 = scf.for %while3A_117 = %while3A_58 to %while3A_64 step %while3A_65 iter_args(%while3A_118 = %convert_element_type3A_57) -> (vector<512x1xf32>)  : i32 {
        %mul3A_119 = arith.constant 512 : i32
        %mul3A_120 = arith.muli %while3A_117, %mul3A_119 : i32
        %get3A_121 = arith.constant 0 : index
        %get3A_122 = arith.constant 0 : index
        %get3A_123 = arith.index_cast %mul3A_120 : i32 to index
        %get3A_124 = vector.load %arg1[%get3A_121, %get3A_122, %get3A_123] : memref<1x1x12288xf32, #tpu.memory_space<vmem>>, vector<1x1x512xf32>
        %get3A_125 = vector.shape_cast %get3A_124 : vector<1x1x512xf32> to vector<1x512xf32>
        %get3A_126 = arith.constant 0 : index
        %get3A_127 = arith.constant 0 : index
        %get3A_128 = arith.index_cast %mul3A_120 : i32 to index
        %get3A_129 = vector.load %arg2[%get3A_126, %get3A_127, %get3A_128] : memref<1x1x12288xf32, #tpu.memory_space<vmem>>, vector<1x1x512xf32>
        %get3A_130 = vector.shape_cast %get3A_129 : vector<1x1x512xf32> to vector<1x512xf32>
        %get3A_131 = arith.constant 0 : index
        %get3A_132 = arith.constant 0 : index
        %get3A_133 = arith.index_cast %mul3A_120 : i32 to index
        %get3A_134 = vector.load %arg3[%get3A_131, %get3A_132, %get3A_133] : memref<1x1x12288xf32, #tpu.memory_space<vmem>>, vector<1x1x512xf32>
        %get3A_135 = vector.shape_cast %get3A_134 : vector<1x1x512xf32> to vector<1x512xf32>
        %get3A_136 = arith.constant 0 : index
        %get3A_137 = arith.constant 0 : index
        %get3A_138 = arith.index_cast %mul3A_120 : i32 to index
        %get3A_139 = vector.load %arg4[%get3A_136, %get3A_137, %get3A_138] : memref<1x1x12288xf32, #tpu.memory_space<vmem>>, vector<1x1x512xf32>
        %get3A_140 = vector.shape_cast %get3A_139 : vector<1x1x512xf32> to vector<1x512xf32>
        %sub3A_141 = arith.subf %get3A_135, %get3A_125 : vector<1x512xf32>
        %sub3A_142 = arith.subf %get3A_140, %get3A_130 : vector<1x512xf32>
        %mul3A_143 = arith.mulf %sub3A_141, %sub3A_142 : vector<1x512xf32>
        %get3A_144 = arith.constant 0 : index
        %get3A_145 = arith.constant 0 : index
        %get3A_146 = arith.index_cast %mul3A_120 : i32 to index
        %get3A_147 = vector.load %arg6[%get3A_144, %get3A_145, %get3A_146] : memref<1x1x12288xf32, #tpu.memory_space<vmem>>, vector<1x1x512xf32>
        %get3A_148 = vector.shape_cast %get3A_147 : vector<1x1x512xf32> to vector<1x512xf32>
        %max3A_149 = vector.broadcast %slice3A : vector<512x1xf32> to vector<512x512xf32>
        %max3A_150 = vector.broadcast %get3A_125 : vector<1x512xf32> to vector<512x512xf32>
        %max3A_151 = arith.maximumf %max3A_149, %max3A_150 : vector<512x512xf32>
        %max3A_152 = vector.broadcast %slice3A_39 : vector<512x1xf32> to vector<512x512xf32>
        %max3A_153 = vector.broadcast %get3A_130 : vector<1x512xf32> to vector<512x512xf32>
        %max3A_154 = arith.maximumf %max3A_152, %max3A_153 : vector<512x512xf32>
        %min3A_155 = vector.broadcast %slice3A_40 : vector<512x1xf32> to vector<512x512xf32>
        %min3A_156 = vector.broadcast %get3A_135 : vector<1x512xf32> to vector<512x512xf32>
        %min3A_157 = arith.minimumf %min3A_155, %min3A_156 : vector<512x512xf32>
        %min3A_158 = vector.broadcast %slice3A_41 : vector<512x1xf32> to vector<512x512xf32>
        %min3A_159 = vector.broadcast %get3A_140 : vector<1x512xf32> to vector<512x512xf32>
        %min3A_160 = arith.minimumf %min3A_158, %min3A_159 : vector<512x512xf32>
        %sub3A_161 = arith.subf %min3A_157, %max3A_151 : vector<512x512xf32>
        %jit3A_162 = arith.constant 0.000000e+00 : f32
        %max3A_163 = vector.broadcast %jit3A_162 : f32 to vector<512x512xf32>
        %max3A_164 = arith.maximumf %max3A_163, %sub3A_161 : vector<512x512xf32>
        %sub3A_165 = arith.subf %min3A_160, %max3A_154 : vector<512x512xf32>
        %jit3A_166 = arith.constant 0.000000e+00 : f32
        %max3A_167 = vector.broadcast %jit3A_166 : f32 to vector<512x512xf32>
        %max3A_168 = arith.maximumf %max3A_167, %sub3A_165 : vector<512x512xf32>
        %mul3A_169 = arith.mulf %max3A_164, %max3A_168 : vector<512x512xf32>
        %add3A_170 = vector.broadcast %mul3A_44 : vector<512x1xf32> to vector<512x512xf32>
        %add3A_171 = vector.broadcast %mul3A_143 : vector<1x512xf32> to vector<512x512xf32>
        %add3A_172 = arith.addf %add3A_170, %add3A_171 : vector<512x512xf32>
        %sub3A_173 = arith.subf %add3A_172, %mul3A_169 : vector<512x512xf32>
        %add3A_174 = arith.constant 9.99999971E-10 : f32
        %add3A_175 = vector.broadcast %add3A_174 : f32 to vector<512x512xf32>
        %add3A_176 = arith.addf %sub3A_173, %add3A_175 : vector<512x512xf32>
        %div3A_177 = arith.divf %mul3A_169, %add3A_176 : vector<512x512xf32>
        %gt3A_178 = arith.constant 0.699999988 : f32
        %gt3A_179 = vector.broadcast %gt3A_178 : f32 to vector<512x512xf32>
        %gt3A_180 = arith.cmpf ogt, %div3A_177, %gt3A_179 : vector<512x512xf32>
        %convert_element_type3A_181 = arith.extui %gt3A_180 : vector<512x512xi1> to vector<512x512xi32>
        %convert_element_type3A_182 = arith.sitofp %convert_element_type3A_181 : vector<512x512xi32> to vector<512x512xf32>
        %mul3A_183 = vector.broadcast %get3A_148 : vector<1x512xf32> to vector<512x512xf32>
        %mul3A_184 = arith.mulf %convert_element_type3A_182, %mul3A_183 : vector<512x512xf32>
        %reduce_max3A = arith.constant dense<0xFF800000> : vector<512xf32>
        %reduce_max3A_185 = vector.multi_reduction <maximumf>, %mul3A_184, %reduce_max3A [1] : vector<512x512xf32> to vector<512xf32>
        %broadcast_in_dim3A_186 = vector.shape_cast %reduce_max3A_185 : vector<512xf32> to vector<512x1xf32>
        %sub3A_187 = arith.constant 1.000000e+00 : f32
        %sub3A_188 = vector.broadcast %sub3A_187 : f32 to vector<512x1xf32>
        %sub3A_189 = arith.subf %sub3A_188, %broadcast_in_dim3A_186 : vector<512x1xf32>
        %mul3A_190 = arith.mulf %while3A_118, %sub3A_189 : vector<512x1xf32>
        scf.yield %mul3A_190 : vector<512x1xf32>
      }
      %while3A_67 = arith.constant 1 : i32
      %while3A_68 = scf.for %while3A_117 = %while3A_64 to %while3A_60 step %while3A_67 iter_args(%while3A_118 = %while3A_66) -> (vector<512x1xf32>)  : i32 {
        %mul3A_119 = arith.constant 512 : i32
        %mul3A_120 = arith.muli %while3A_117, %mul3A_119 : i32
        %get3A_121 = arith.constant 0 : index
        %get3A_122 = arith.constant 0 : index
        %get3A_123 = arith.index_cast %mul3A_120 : i32 to index
        %get3A_124 = vector.load %arg1[%get3A_121, %get3A_122, %get3A_123] : memref<1x1x12288xf32, #tpu.memory_space<vmem>>, vector<1x1x512xf32>
        %get3A_125 = vector.shape_cast %get3A_124 : vector<1x1x512xf32> to vector<1x512xf32>
        %get3A_126 = arith.constant 0 : index
        %get3A_127 = arith.constant 0 : index
        %get3A_128 = arith.index_cast %mul3A_120 : i32 to index
        %get3A_129 = vector.load %arg2[%get3A_126, %get3A_127, %get3A_128] : memref<1x1x12288xf32, #tpu.memory_space<vmem>>, vector<1x1x512xf32>
        %get3A_130 = vector.shape_cast %get3A_129 : vector<1x1x512xf32> to vector<1x512xf32>
        %get3A_131 = arith.constant 0 : index
        %get3A_132 = arith.constant 0 : index
        %get3A_133 = arith.index_cast %mul3A_120 : i32 to index
        %get3A_134 = vector.load %arg3[%get3A_131, %get3A_132, %get3A_133] : memref<1x1x12288xf32, #tpu.memory_space<vmem>>, vector<1x1x512xf32>
        %get3A_135 = vector.shape_cast %get3A_134 : vector<1x1x512xf32> to vector<1x512xf32>
        %get3A_136 = arith.constant 0 : index
        %get3A_137 = arith.constant 0 : index
        %get3A_138 = arith.index_cast %mul3A_120 : i32 to index
        %get3A_139 = vector.load %arg4[%get3A_136, %get3A_137, %get3A_138] : memref<1x1x12288xf32, #tpu.memory_space<vmem>>, vector<1x1x512xf32>
        %get3A_140 = vector.shape_cast %get3A_139 : vector<1x1x512xf32> to vector<1x512xf32>
        %sub3A_141 = arith.subf %get3A_135, %get3A_125 : vector<1x512xf32>
        %sub3A_142 = arith.subf %get3A_140, %get3A_130 : vector<1x512xf32>
        %mul3A_143 = arith.mulf %sub3A_141, %sub3A_142 : vector<1x512xf32>
        %get3A_144 = arith.constant 0 : index
        %get3A_145 = arith.constant 0 : index
        %get3A_146 = arith.index_cast %mul3A_120 : i32 to index
        %get3A_147 = vector.load %arg6[%get3A_144, %get3A_145, %get3A_146] : memref<1x1x12288xf32, #tpu.memory_space<vmem>>, vector<1x1x512xf32>
        %get3A_148 = vector.shape_cast %get3A_147 : vector<1x1x512xf32> to vector<1x512xf32>
        %max3A_149 = vector.broadcast %slice3A : vector<512x1xf32> to vector<512x512xf32>
        %max3A_150 = vector.broadcast %get3A_125 : vector<1x512xf32> to vector<512x512xf32>
        %max3A_151 = arith.maximumf %max3A_149, %max3A_150 : vector<512x512xf32>
        %max3A_152 = vector.broadcast %slice3A_39 : vector<512x1xf32> to vector<512x512xf32>
        %max3A_153 = vector.broadcast %get3A_130 : vector<1x512xf32> to vector<512x512xf32>
        %max3A_154 = arith.maximumf %max3A_152, %max3A_153 : vector<512x512xf32>
        %min3A_155 = vector.broadcast %slice3A_40 : vector<512x1xf32> to vector<512x512xf32>
        %min3A_156 = vector.broadcast %get3A_135 : vector<1x512xf32> to vector<512x512xf32>
        %min3A_157 = arith.minimumf %min3A_155, %min3A_156 : vector<512x512xf32>
        %min3A_158 = vector.broadcast %slice3A_41 : vector<512x1xf32> to vector<512x512xf32>
        %min3A_159 = vector.broadcast %get3A_140 : vector<1x512xf32> to vector<512x512xf32>
        %min3A_160 = arith.minimumf %min3A_158, %min3A_159 : vector<512x512xf32>
        %sub3A_161 = arith.subf %min3A_157, %max3A_151 : vector<512x512xf32>
        %jit3A_162 = arith.constant 0.000000e+00 : f32
        %max3A_163 = vector.broadcast %jit3A_162 : f32 to vector<512x512xf32>
        %max3A_164 = arith.maximumf %max3A_163, %sub3A_161 : vector<512x512xf32>
        %sub3A_165 = arith.subf %min3A_160, %max3A_154 : vector<512x512xf32>
        %jit3A_166 = arith.constant 0.000000e+00 : f32
        %max3A_167 = vector.broadcast %jit3A_166 : f32 to vector<512x512xf32>
        %max3A_168 = arith.maximumf %max3A_167, %sub3A_165 : vector<512x512xf32>
        %mul3A_169 = arith.mulf %max3A_164, %max3A_168 : vector<512x512xf32>
        %add3A_170 = vector.broadcast %mul3A_44 : vector<512x1xf32> to vector<512x512xf32>
        %add3A_171 = vector.broadcast %mul3A_143 : vector<1x512xf32> to vector<512x512xf32>
        %add3A_172 = arith.addf %add3A_170, %add3A_171 : vector<512x512xf32>
        %sub3A_173 = arith.subf %add3A_172, %mul3A_169 : vector<512x512xf32>
        %add3A_174 = arith.constant 9.99999971E-10 : f32
        %add3A_175 = vector.broadcast %add3A_174 : f32 to vector<512x512xf32>
        %add3A_176 = arith.addf %sub3A_173, %add3A_175 : vector<512x512xf32>
        %div3A_177 = arith.divf %mul3A_169, %add3A_176 : vector<512x512xf32>
        %gt3A_178 = arith.constant 0.699999988 : f32
        %gt3A_179 = vector.broadcast %gt3A_178 : f32 to vector<512x512xf32>
        %gt3A_180 = arith.cmpf ogt, %div3A_177, %gt3A_179 : vector<512x512xf32>
        %convert_element_type3A_181 = arith.extui %gt3A_180 : vector<512x512xi1> to vector<512x512xi32>
        %convert_element_type3A_182 = arith.sitofp %convert_element_type3A_181 : vector<512x512xi32> to vector<512x512xf32>
        %mul3A_183 = vector.broadcast %get3A_148 : vector<1x512xf32> to vector<512x512xf32>
        %mul3A_184 = arith.mulf %convert_element_type3A_182, %mul3A_183 : vector<512x512xf32>
        %reduce_max3A = arith.constant dense<0xFF800000> : vector<512xf32>
        %reduce_max3A_185 = vector.multi_reduction <maximumf>, %mul3A_184, %reduce_max3A [1] : vector<512x512xf32> to vector<512xf32>
        %broadcast_in_dim3A_186 = vector.shape_cast %reduce_max3A_185 : vector<512xf32> to vector<512x1xf32>
        %sub3A_187 = arith.constant 1.000000e+00 : f32
        %sub3A_188 = vector.broadcast %sub3A_187 : f32 to vector<512x1xf32>
        %sub3A_189 = arith.subf %sub3A_188, %broadcast_in_dim3A_186 : vector<512x1xf32>
        %mul3A_190 = arith.mulf %while3A_118, %sub3A_189 : vector<512x1xf32>
        scf.yield %mul3A_190 : vector<512x1xf32>
      }
      %transpose3A_69 = tpu.transpose %while3A_68, [1, 0] : vector<512x1xf32> -> vector<1x512xf32>
      %max3A = vector.broadcast %slice3A : vector<512x1xf32> to vector<512x512xf32>
      %max3A_70 = vector.broadcast %get3A_18 : vector<1x512xf32> to vector<512x512xf32>
      %max3A_71 = arith.maximumf %max3A, %max3A_70 : vector<512x512xf32>
      %max3A_72 = vector.broadcast %slice3A_39 : vector<512x1xf32> to vector<512x512xf32>
      %max3A_73 = vector.broadcast %get3A_23 : vector<1x512xf32> to vector<512x512xf32>
      %max3A_74 = arith.maximumf %max3A_72, %max3A_73 : vector<512x512xf32>
      %min3A = vector.broadcast %slice3A_40 : vector<512x1xf32> to vector<512x512xf32>
      %min3A_75 = vector.broadcast %get3A_28 : vector<1x512xf32> to vector<512x512xf32>
      %min3A_76 = arith.minimumf %min3A, %min3A_75 : vector<512x512xf32>
      %min3A_77 = vector.broadcast %slice3A_41 : vector<512x1xf32> to vector<512x512xf32>
      %min3A_78 = vector.broadcast %get3A_33 : vector<1x512xf32> to vector<512x512xf32>
      %min3A_79 = arith.minimumf %min3A_77, %min3A_78 : vector<512x512xf32>
      %sub3A_80 = arith.subf %min3A_76, %max3A_71 : vector<512x512xf32>
      %jit3A = arith.constant 0.000000e+00 : f32
      %max3A_81 = vector.broadcast %jit3A : f32 to vector<512x512xf32>
      %max3A_82 = arith.maximumf %max3A_81, %sub3A_80 : vector<512x512xf32>
      %sub3A_83 = arith.subf %min3A_79, %max3A_74 : vector<512x512xf32>
      %jit3A_84 = arith.constant 0.000000e+00 : f32
      %max3A_85 = vector.broadcast %jit3A_84 : f32 to vector<512x512xf32>
      %max3A_86 = arith.maximumf %max3A_85, %sub3A_83 : vector<512x512xf32>
      %mul3A_87 = arith.mulf %max3A_82, %max3A_86 : vector<512x512xf32>
      %add3A = vector.broadcast %mul3A_44 : vector<512x1xf32> to vector<512x512xf32>
      %add3A_88 = vector.broadcast %mul3A_47 : vector<1x512xf32> to vector<512x512xf32>
      %add3A_89 = arith.addf %add3A, %add3A_88 : vector<512x512xf32>
      %sub3A_90 = arith.subf %add3A_89, %mul3A_87 : vector<512x512xf32>
      %add3A_91 = arith.constant 9.99999971E-10 : f32
      %add3A_92 = vector.broadcast %add3A_91 : f32 to vector<512x512xf32>
      %add3A_93 = arith.addf %sub3A_90, %add3A_92 : vector<512x512xf32>
      %div3A = arith.divf %mul3A_87, %add3A_93 : vector<512x512xf32>
      %gt3A_94 = arith.constant 0.699999988 : f32
      %gt3A_95 = vector.broadcast %gt3A_94 : f32 to vector<512x512xf32>
      %gt3A_96 = arith.cmpf ogt, %div3A, %gt3A_95 : vector<512x512xf32>
      %convert_element_type3A_97 = arith.extui %gt3A_96 : vector<512x512xi1> to vector<512x512xi32>
      %convert_element_type3A_98 = arith.sitofp %convert_element_type3A_97 : vector<512x512xi32> to vector<512x512xf32>
      %mul3A_99 = arith.mulf %convert_element_type3A_98, %convert_element_type3A_1 : vector<512x512xf32>
      %mul3A_100 = arith.mulf %convert_element_type3A_98, %convert_element_type3A_5 : vector<512x512xf32>
      %while3A_101 = arith.constant true
      %while3A_102 = arith.constant 0 : i32
      %while3A_103:4 = scf.while (%while3A_117 = %transpose3A_69, %while3A_118 = %while3A_68, %while3A_119 = %while3A_101, %while3A_120 = %while3A_102) : (vector<1x512xf32>, vector<512x1xf32>, i1, i32) -> (vector<1x512xf32>, vector<512x1xf32>, i1, i32) {
        %lt3A_121 = arith.constant 520 : i32
        %lt3A_122 = arith.cmpi slt, %while3A_120, %lt3A_121 : i32
        %and3A = arith.andi %while3A_119, %lt3A_122 : i1
        scf.condition(%and3A) %while3A_117, %while3A_118, %while3A_119, %while3A_120 : vector<1x512xf32>, vector<512x1xf32>, i1, i32
      } do {
      ^bb0(%while3A_117: vector<1x512xf32>, %while3A_118: vector<512x1xf32>, %while3A_119: i1, %while3A_120: i32):
        %mul3A_121 = vector.broadcast %while3A_118 : vector<512x1xf32> to vector<512x512xf32>
        %mul3A_122 = arith.mulf %mul3A_99, %mul3A_121 : vector<512x512xf32>
        %reduce_max3A = arith.constant dense<0xFF800000> : vector<512xf32>
        %reduce_max3A_123 = vector.multi_reduction <maximumf>, %mul3A_122, %reduce_max3A [0] : vector<512x512xf32> to vector<512xf32>
        %broadcast_in_dim3A_124 = vector.shape_cast %reduce_max3A_123 : vector<512xf32> to vector<1x512xf32>
        %mul3A_125 = vector.broadcast %while3A_117 : vector<1x512xf32> to vector<512x512xf32>
        %mul3A_126 = arith.mulf %mul3A_100, %mul3A_125 : vector<512x512xf32>
        %reduce_max3A_127 = arith.constant dense<0xFF800000> : vector<512xf32>
        %reduce_max3A_128 = vector.multi_reduction <maximumf>, %mul3A_126, %reduce_max3A_127 [1] : vector<512x512xf32> to vector<512xf32>
        %broadcast_in_dim3A_129 = vector.shape_cast %reduce_max3A_128 : vector<512xf32> to vector<512x1xf32>
        %sub3A_130 = arith.constant 1.000000e+00 : f32
        %sub3A_131 = vector.broadcast %sub3A_130 : f32 to vector<1x512xf32>
        %sub3A_132 = arith.subf %sub3A_131, %broadcast_in_dim3A_124 : vector<1x512xf32>
        %mul3A_133 = arith.mulf %transpose3A_69, %sub3A_132 : vector<1x512xf32>
        %sub3A_134 = arith.constant 1.000000e+00 : f32
        %sub3A_135 = vector.broadcast %sub3A_134 : f32 to vector<512x1xf32>
        %sub3A_136 = arith.subf %sub3A_135, %broadcast_in_dim3A_129 : vector<512x1xf32>
        %mul3A_137 = arith.mulf %while3A_68, %sub3A_136 : vector<512x1xf32>
        %ne3A = arith.cmpf one, %mul3A_133, %while3A_117 : vector<1x512xf32>
        %reduce_or3A = arith.constant 1.000000e+00 : f32
        %reduce_or3A_138 = arith.constant 0.000000e+00 : f32
        %reduce_or3A_139 = vector.broadcast %reduce_or3A : f32 to vector<1x512xf32>
        %reduce_or3A_140 = vector.broadcast %reduce_or3A_138 : f32 to vector<1x512xf32>
        %reduce_or3A_141 = arith.select %ne3A, %reduce_or3A_139, %reduce_or3A_140 : vector<1x512xi1>, vector<1x512xf32>
        %reduce_or3A_142 = vector.shape_cast %reduce_or3A_141 : vector<1x512xf32> to vector<1x1x512xf32>
        %reduce_or3A_143 = arith.constant dense<0xFF800000> : vector<1xf32>
        %reduce_or3A_144 = vector.multi_reduction <maximumf>, %reduce_or3A_142, %reduce_or3A_143 [1, 2] : vector<1x1x512xf32> to vector<1xf32>
        %reduce_or3A_145 = vector.shape_cast %reduce_or3A_144 : vector<1xf32> to vector<1x1x1xf32>
        %reduce_or3A_146 = vector.extract %reduce_or3A_145[0, 0, 0] : f32 from vector<1x1x1xf32>
        %reduce_or3A_147 = arith.constant 0.000000e+00 : f32
        %reduce_or3A_148 = arith.cmpf ogt, %reduce_or3A_146, %reduce_or3A_147 : f32
        %add3A_149 = arith.constant 1 : i32
        %add3A_150 = arith.addi %while3A_120, %add3A_149 : i32
        scf.yield %mul3A_133, %mul3A_137, %reduce_or3A_148, %add3A_150 : vector<1x512xf32>, vector<512x1xf32>, i1, i32
      }
      %swap3A_104 = arith.constant 0 : index
      %swap3A_105 = arith.constant 0 : index
      %swap3A_106 = arith.index_cast %mul3A_14 : i32 to index
      %swap3A_107 = vector.load %arg6[%swap3A_104, %swap3A_105, %swap3A_106] : memref<1x1x12288xf32, #tpu.memory_space<vmem>>, vector<1x1x512xf32>
      %swap3A_108 = vector.shape_cast %swap3A_107 : vector<1x1x512xf32> to vector<1x512xf32>
      %swap3A_109 = vector.shape_cast %while3A_103#0 : vector<1x512xf32> to vector<1x1x512xf32>
      tpu.vector_store %arg6[%swap3A_104, %swap3A_105, %swap3A_106], %swap3A_109 {strides = array<i32>} : memref<1x1x12288xf32, #tpu.memory_space<vmem>>, vector<1x1x512xf32>,
      %reduce_sum3A = vector.shape_cast %while3A_103#0 : vector<1x512xf32> to vector<1x1x512xf32>
      %reduce_sum3A_110 = arith.constant dense<0.000000e+00> : vector<1xf32>
      %reduce_sum3A_111 = vector.multi_reduction <add>, %reduce_sum3A, %reduce_sum3A_110 [1, 2] : vector<1x1x512xf32> to vector<1xf32>
      %reduce_sum3A_112 = vector.shape_cast %reduce_sum3A_111 : vector<1xf32> to vector<1x1x1xf32>
      %reduce_sum3A_113 = vector.extract %reduce_sum3A_112[0, 0, 0] : f32 from vector<1x1x1xf32>
      %add3A_114 = arith.addf %while3A_13, %reduce_sum3A_113 : f32
      %add3A_115 = arith.constant 1 : i32
      %add3A_116 = arith.addi %while3A_12, %add3A_115 : i32
      scf.yield %add3A_116, %add3A_114 : i32, f32
    }
    return
  }
  func.func @transform_0(%arg0: i32) -> (i32, i32, i32) {
    %c0_i32 = arith.constant 0 : i32
    %c0_i32_0 = arith.constant 0 : i32
    %c0_i32_1 = arith.constant 0 : i32
    return %arg0, %c0_i32, %c0_i32_0 : i32, i32, i32
  }
  func.func @transform_1(%arg0: i32) -> (i32, i32, i32) {
    %c0_i32 = arith.constant 0 : i32
    %c0_i32_0 = arith.constant 0 : i32
    %c0_i32_1 = arith.constant 0 : i32
    return %arg0, %c0_i32, %c0_i32_0 : i32, i32, i32
  }
  func.func @transform_2(%arg0: i32) -> (i32, i32, i32) {
    %c0_i32 = arith.constant 0 : i32
    %c0_i32_0 = arith.constant 0 : i32
    %c0_i32_1 = arith.constant 0 : i32
    return %arg0, %c0_i32, %c0_i32_0 : i32, i32, i32
  }
  func.func @transform_3(%arg0: i32) -> (i32, i32, i32) {
    %c0_i32 = arith.constant 0 : i32
    %c0_i32_0 = arith.constant 0 : i32
    %c0_i32_1 = arith.constant 0 : i32
    return %arg0, %c0_i32, %c0_i32_0 : i32, i32, i32
  }
  func.func @transform_4(%arg0: i32) -> (i32, i32, i32) {
    %c0_i32 = arith.constant 0 : i32
    %c0_i32_0 = arith.constant 0 : i32
    %c0_i32_1 = arith.constant 0 : i32
    return %arg0, %c0_i32, %c0_i32_0 : i32, i32, i32
  }
  func.func @transform_5(%arg0: i32) -> (i32, i32, i32) {
    %c0_i32 = arith.constant 0 : i32
    %c0_i32_0 = arith.constant 0 : i32
    %c0_i32_1 = arith.constant 0 : i32
    return %arg0, %c0_i32, %c0_i32_0 : i32, i32, i32
  }
}

</mosaic_0001>

<sc_bundles>
// kernel: gather_offload_async_start.1
scs
__scs_entry_jumppad:
0x0: {  	(pc) =	sbr.rel $0x88, $3  }
0x1: {  	(tag) =	ssettag $0x0;
	lr =	simm.s32 $0x1  }
0x2: {  	[smem:$0x3F9C] =	sst lr;
	_ =	strace $0xD0000000  }
0x3: {  	_ = 	snop  }
0x4: {  	_ = 	snop  }
0x5: {  	_ = 	snop  }
0x6: {  	_ = 	snop  }
0x7: {  	_ = 	snop  }
__scs_overlays_trampoline_lowered:
0x8: {  	[smem:$0x3FAB] =	sst s0  }
0x9: {  	[smem:$0x3FAC] =	sst s1  }
0xa: {  	[smem:$0x3FAD] =	sst s2  }
0xb: {  	[smem:$0x3FAE] =	sst s3  }
0xc: {  	[smem:$0x3FAF] =	sst s4  }
0xd: {  	[smem:$0x3FB0] =	sst s5  }
0xe: {  	[smem:$0x3FB1] =	sst s6  }
0xf: {  	[smem:$0x3FB2] =	sst s7  }
0x10: {  	[smem:$0x3FB3] =	sst s8  }
0x11: {  	[smem:$0x3FB4] =	sst s9;
	s0 =	simm.s32 @!p0 $0x0  }
0x12: {  	s1 =	sld [smem:$0x3F9A];
	s0 =	simm.s32 @p0 $0x1  }
0x13: {  	[smem:$0x3FB5] =	sst s0;
	s0 =	simm.s32 @!p1 $0x0  }
0x14: {  	s2 =	sld [smem:$0x3F99];
	s0 =	simm.s32 @p1 $0x1  }
0x15: {  	[smem:$0x3FB6] =	sst s0;
	s0 =	simm.s32 @!p2 $0x0  }
0x16: {  	s3 =	sld [smem:$0x3FDB];
	s0 =	simm.s32 @p2 $0x1  }
0x17: {  	s4 =	simm.s32 $0x1BF5;
	[smem:$0x3FB8] =	sst s0  }
0x18: {  	s0 =	sld [smem:$0x3F9B];
	_ =	swait.ge [sflag:s4], $0x0  }
0x19: {  	s7 =	sld [smem:$0x3F9C]  }
0x1a: {  	s8 =	sadd.s32 $0xFFFFE003, lr  }
0x1b: {  	s9 =	sadd.s32 $0xFFFFFEF7, lr;
	s5 =	simm.s32 $0xFFFFFFFF;
	p2 =	slt.u32 s8, $0xFFFFF086  }
0x1c: {  	p1 =	slt.u32 s9, $0xF7A;
	s5 =	simm.s32 @!p2 $0x0  }
0x1d: {  	s5 =	simm.s32 @p1 $0x1;
	p0 =	seq.s32 s7, s2  }
0x1e: {  	s7 =	smul.u32 @!p0 $0xF7A, s2;
	p2 =	seq.s32 @!p0 s5, $0x0  }
0x1f: {  	s9 =	smul.u32 $0xF7A, s1;
	s8 =	simm.s32 @!p0 $0x1BF5;
	p2 =	por !p2, p0  }
0x20: {  	[sflag:s8] =	ssyncset.s32 @!p0 $0xFFFFF086;
	s6 =	sadd.s32 @!p0 s3, s7;
	s7 =	simm.s32 @!p0 $0x108  }
0x21: {  	s3 =	sadd.s32 s3, s9;
	s6 =	sadd.s32 @!p0 $0x88, s6;
	s7 =	simm.s32 @p2 $0x1082  }
0x22: {  	[simem:s7], [sflag:s8] =	dma.local @!p0 [hbm:s6], $0xF7A  }
0x23: {  	s9 =	sor.u32 $0xD0000000, s2;
	s6 =	simm.s32 $0x108;
	_ =	swait.ge @!p0 [sflag:s8], $0x0  }
0x24: {  	s3 =	sadd.s32 $0x88, s3;
	s6 =	simm.s32 @!p1 $0x1082;
	[sflag:s4] =	ssyncset.s32 $0xFFFFF086  }
0x25: {  	[simem:s6], [sflag:s4] =	dma.local [hbm:s3], $0xF7A  }
0x26: {  	[smem:$0x3F9C] =	sst s1;
	(tag) =	ssettag s2;
	_ =	strace s9  }
0x27: {  	s1 =	sld [smem:$0x3FAC]  }
0x28: {  	s2 =	sld [smem:$0x3FAD]  }
0x29: {  	s4 =	sld [smem:$0x3FAF]  }
0x2a: {  	p0 =	seq.s32 s5, $0x0;
	s5 =	sld [smem:$0x3FB0]  }
0x2b: {  	s6 =	sld [smem:$0x3FB1]  }
0x2c: {  	s7 =	sld [smem:$0x3FB2]  }
0x2d: {  	s3 =	simm.s32 $0x108;
	s8 =	sld [smem:$0x3FB3]  }
0x2e: {  	s3 =	simm.s32 @!p0 $0x1082;
	s9 =	sld [smem:$0x3FB4]  }
0x2f: {  	lr =	sadd.s32 s0, s3;
	s0 =	sld [smem:$0x3FAB]  }
0x30: {  	s3 =	sld [smem:$0x3FAE]  }
0x31: {  	[smem:$0x3FB7] =	sst s10  }
0x32: {  	s10 =	sld [smem:$0x3FB5];
	_ =	sdelay $0x3  }
0x33: {  	p0 =	seq.s32 s10, $0x1;
	s10 =	sld [smem:$0x3FB7];
	_ =	sdelay $0x3  }
0x34: {  	[smem:$0x3FB7] =	sst s10  }
0x35: {  	s10 =	sld [smem:$0x3FB6];
	_ =	sdelay $0x3  }
0x36: {  	p1 =	seq.s32 s10, $0x1;
	s10 =	sld [smem:$0x3FB7];
	_ =	sdelay $0x3  }
0x37: {  	[smem:$0x3FB7] =	sst s10  }
0x38: {  	s10 =	sld [smem:$0x3FB8]  }
0x39: {  	_ = 	snop;
	(pc) =	sbr.ind lr, $3  }
0x3a: {  	_ = 	snop  }
0x3b: {  	_ = 	snop  }
0x3c: {  	p2 =	seq.s32 s10, $0x1;
	s10 =	sld [smem:$0x3FB7]  }
0x3d: {  	_ =	shalt  }
0x3e: {  	_ =	shalt  }
0x3f: {  	_ =	shalt  }
0x40: {  	_ =	shalt  }
0x41: {  	_ =	shalt  }
0x42: {  	_ =	shalt  }
0x43: {  	_ =	shalt  }
0x44: {  	_ =	shalt  }
0x45: {  	_ =	shalt  }
0x46: {  	_ =	shalt  }
0x47: {  	_ =	shalt  }
0x48: {  	_ =	shalt  }
0x49: {  	_ =	shalt  }
0x4a: {  	_ =	shalt  }
0x4b: {  	_ =	shalt  }
0x4c: {  	_ =	shalt  }
0x4d: {  	_ =	shalt  }
0x4e: {  	_ =	shalt  }
0x4f: {  	_ =	shalt  }
0x50: {  	_ =	shalt  }
0x51: {  	_ =	shalt  }
0x52: {  	_ =	shalt  }
0x53: {  	_ =	shalt  }
0x54: {  	_ =	shalt  }
0x55: {  	_ =	shalt  }
0x56: {  	_ =	shalt  }
0x57: {  	_ =	shalt  }
0x58: {  	_ =	shalt  }
0x59: {  	_ =	shalt  }
0x5a: {  	_ =	shalt  }
0x5b: {  	_ =	shalt  }
0x5c: {  	_ =	shalt  }
0x5d: {  	_ =	shalt  }
0x5e: {  	_ =	shalt  }
0x5f: {  	_ =	shalt  }
0x60: {  	_ =	shalt  }
0x61: {  	_ =	shalt  }
0x62: {  	_ =	shalt  }
0x63: {  	_ =	shalt  }
0x64: {  	_ =	shalt  }
0x65: {  	_ =	shalt  }
0x66: {  	_ =	shalt  }
0x67: {  	_ =	shalt  }
0x68: {  	_ =	shalt  }
0x69: {  	_ =	shalt  }
0x6a: {  	_ =	shalt  }
0x6b: {  	_ =	shalt  }
0x6c: {  	_ =	shalt  }
0x6d: {  	_ =	shalt  }
0x6e: {  	_ =	shalt  }
0x6f: {  	_ =	shalt  }
0x70: {  	_ =	shalt  }
0x71: {  	_ =	shalt  }
0x72: {  	_ =	shalt  }
0x73: {  	_ =	shalt  }
0x74: {  	_ =	shalt  }
0x75: {  	_ =	shalt  }
0x76: {  	_ =	shalt  }
0x77: {  	_ =	shalt  }
0x78: {  	_ =	shalt  }
0x79: {  	_ =	shalt  }
0x7a: {  	_ =	shalt  }
0x7b: {  	_ =	shalt  }
0x7c: {  	_ =	shalt  }
0x7d: {  	_ =	shalt  }
0x7e: {  	_ =	shalt  }
0x7f: {  	_ =	shalt  }
0x80: {  	_ =	shalt  }
0x81: {  	_ =	shalt  }
0x82: {  	_ =	shalt  }
0x83: {  	_ =	shalt  }
0x84: {  	_ =	shalt  }
0x85: {  	_ =	shalt  }
0x86: {  	_ =	shalt  }
0x87: {  	_ =	shalt  }
.Lfunc_end0:
.L_simem_size_0:
called_computation.1_lowered:
.L_overlay_start_0:
0x88: {  	s2 =	sld [smem:$0x3FD9]  }
0x89: {  	s3 =	sld [smem:$0x3FFE];
	_ =	sdelay $0x1  }
0x8a: {  	s1 =	srdreg.scid  }
0x8b: {  	s0 =	sand.u32 $0x1, s1  }
0x8c: {  	s17 =	sshll.u32 s0, $0xA;
	s2 =	sadd.s32 s3, s2  }
0x8d: {  	s2 =	sadd.s32 s2, s17  }
0x8e: {  	[smem:$0x3FC3] =	sst s2  }
0x8f: {  	_ = 	snop  }
0x90: {  	(tm) =	ssettm $0x1  }
0x91: {  	s18 =	sld [smem:$0x3FFB];
	_ =	sdelay $0x3  }
0x92: {  	_ =	strace s18  }
0x93: {  	s2 =	sld [smem:$0x3FFC];
	_ =	sdelay $0x3  }
0x94: {  	_ =	strace s2  }
0x95: {  	s2 =	sld [smem:$0x3FFD];
	_ =	sdelay $0x3  }
0x96: {  	_ =	strace s2  }
0x97: {  	_ =	strace $0x8FFFFFFF  }
0x98: {  	s19 =	sld [smem:$0x3FDB];
	_ =	sdelay $0x1  }
0x99: {  	s20 =	simm.s32 $_scs_section_size  }
0x9a: {  	s4 =	simm.s32 $_size__tile_overlayer_lowered;
	s5 =	simm.s32 $_tile_overlayer_lowered  }
0x9b: {  	s6 =	simm.s32 $0x1BFF;
	s21 =	sshll.u32 s5, $0x1;
	s3 =	sadd.s32 s20, s19  }
0x9c: {  	s22 =	simm.s32 $0x0;
	s4 =	sshll.u32 s4, $0x1;
	s5 =	sadd.s32 s21, s3  }
0x9d: {  	[timem:s22], [sflag:s6] =	dma.local [hbm:s5], s4  }
0x9e: {  	_ =	swait.ge [sflag:s6], s4  }
0x9f: {  	s4 =	ssub.s32 $0x0, s4;
	[sflag:s6] =	ssyncset.done $0x0  }
0xa0: {  	[sflag:s6] =	ssyncadd.s32 s4;
	_ =	sdelay $0x1  }
0xa1: {  	s23 =	simm.s32 $0x1B8B  }
0xa2: {  	_ =	swait.ge [sflag:s23], $0x1  }
0xa3: {  	[sflag:s23] =	ssyncset.done $0x0  }
0xa4: {  	[sflag:s23] =	ssyncadd.s32 $0xFFFFFFFF  }
0xa5: {  	s4 =	sld [smem:$0x0]  }
0xa6: {  	s5 =	sand.u32 $0xFFFFFFFE, s1  }
0xa7: {  	p0 =	sne.s32 s1, s5  }
0xa8: {  	s5 =	sshll.u32 @p0 s5, $0xE  }
0xa9: {  	s5 =	sadd.s32 @p0 $0x11B8D, s5;
	s6 =	sshll.u32 @p0 s4, $0x11  }
0xaa: {  	s5 =	sor.u32 @p0 s6, s5  }
0xab: {  	[sflag:s5] =	ssyncadd.remote.s32 @p0 $0x1;
	_ =	sdelay $0x1  }
0xac: {  	s5 =	simm.s32 @p0 $0x1B8D  }
0xad: {  	_ =	swait.eq @p0 [sflag:s5], $0x1  }
0xae: {  	[sflag:s5] =	ssyncadd.s32 @p0 $0xFFFFFFFF  }
0xaf: {  	s6 =	sshll.u32 @!p0 s1, $0xE  }
0xb0: {  	s6 =	sor.u32 @!p0 $0x4000, s6;
	s5 =	simm.s32 @!p0 $0x1B8D  }
0xb1: {  	s4 =	sshll.u32 @!p0 s4, $0x11;
	s6 =	sadd.s32 @!p0 $0x11B8D, s6;
	_ =	swait.eq @!p0 [sflag:s5], $0x1  }
0xb2: {  	s4 =	sor.u32 @!p0 s4, s6;
	[sflag:s5] =	ssyncadd.s32 @!p0 $0xFFFFFFFF  }
0xb3: {  	s25 =	simm.s32 $0x1B8E;
	s24 =	sld [smem:$0x3FFE];
	[sflag:s4] =	ssyncadd.remote.s32 @!p0 $0x1  }
0xb4: {  	s26 =	simm.s32 $execute0_lowered;
	[smem:$0x3FD2] =	sst s25  }
0xb5: {  	s5 =	sshll.u32 s26, $0x1;
	_ =	strace $0x8000004C;
	[dreg:$0x1] =	wrdreg $0xFFFFFFFF  }
0xb6: {  	s28 =	simm.s32 $_size_execute0_lowered;
	s3 =	sadd.s32 s3, s5;
	[dreg:$0x0] =	wrdreg $0x0  }
0xb7: {  	s5 =	sshll.u32 s28, $0x1;
	[dreg:$0x2] =	wrdreg s3  }
0xb8: {  	[dreg:$0x3] =	wrdreg s5  }
0xb9: {  	[dreg:$0x4] =	wrdreg $0xC0  }
0xba: {  	_ =	task [dreg:s22], $0x5FFFF  }
0xbb: {  	[dreg:$0x1] =	wrdreg $0xFFFFFFFF  }
0xbc: {  	[dreg:$0x0] =	wrdreg $0x60  }
0xbd: {  	[dreg:$0x2] =	wrdreg s24  }
0xbe: {  	[dreg:$0x3] =	wrdreg $0xA  }
0xbf: {  	_ =	task.clear_ibuf [dreg:s22], $0x4FFFF;
	_ =	strace $0x9000004C  }
0xc0: {  	s29 =	simm.s32 $0xA;
	_ =	strace $0x8000004E  }
0xc1: {  	_ =	swait.ge [sflag:s29], $0x1  }
0xc2: {  	[sflag:s29] =	ssyncadd.s32 $0xFFFFFFFF  }
0xc3: {  	_ =	strace $0x9000004E  }
0xc4: {  	_ =	sfence  }
0xc5: {  	s30 =	sld [smem:$0x0];
	_ =	sdelay $0x2  }
0xc6: {  	s31 =	sshll.u32 s1, $0xD;
	s1 =	sshrl.u32 s1, $0x2  }
0xc7: {  	s4 =	sand.u32 $0x4000, s31;
	s1 =	sadd.s32 s1, s30  }
0xc8: {  	s0 =	sor.u32 s4, s0;
	s1 =	sshll.u32 s1, $0x11  }
0xc9: {  	s0 =	sor.u32 s1, s0  }
0xca: {  	s0 =	sadd.s32 $0x8F2B, s0  }
0xcb: {  	[sflag:s0] =	ssyncadd.remote.s32 $0x1  }
0xcc: {  	_ =	sfence.sel $0xFFFF  }
0xcd: {  	[dreg:$0x0] =	wrdreg $0xFFFFFFFF;
	(pc) =	sbr.abs _section_cstart, $3  }
0xce: {  	[dreg:$0x1] =	wrdreg $0xFFFFFFFF  }
0xcf: {  	_ =	task.clear_ibuf [dreg:s22], $0x2FFFF;
	_ =	strace $0x9FFFFFFF  }
0xd0: {  	(tm) =	ssettm $0x7FFFFFFF  }
0xd1: {  	_ =	shalt  }
tec
execute0_lowered:
.L_overlay_start_1:
0x0: {  	(tag) =	ssettag $0x1  }
0x1: {  	s8 =	rddreg [dreg:$0x0];
	s1 =	stileid.u32  }
0x2: {  	s2 =	srdreg.scid;
	s0 =	rddreg [dreg:$0x1]  }
0x3: {  	_ =	strace $0x8000004D;
	s5 =	simm.s32 $0x1;
	s9 =	simm.s32 $0x1  }
0x4: {  	s10 =	simm.s32 $0x3;
	s2 =	sand.u32 $0x1, s2;
	s3 =	sshll.u32 s1, $0x1  }
0x5: {  	s13 =	simm.s32 $0x0;
	s12 =	simm.s32 $0x0;
	s6 =	sor.u32 s3, s2  }
0x6: {  	[sflag:s5] =	ssyncpa.u1 $0x0;
	s2 =	sadd.s32 $0x10400, s8;
	s4 =	smul.u32 $0x960, s6  }
0x7: {  	s3 =	sadd.s32 $0x1F400, s8;
	p0 =	slt.u32 s6, $0x9;
	s6 =	simm.s32 $0x12C00  }
.Ltmp0:
0x8: {  	s6 =	simm.s32 @!p0 $0x0;
	s7 =	ssub.s32 $0x17700, s4;
	(pc) =	sbr.rel .LBB2_1-.Ltmp0, $4  }
0x9: {  	s9 =	simm.s32 @!p0 $0x0;
	p0 =	sne.s32 s7, s6;
	s7 =	simm.s32 $0x1  }
0xa: {  	s8 =	sadd.s32 $0x22400, s8;
	s6 =	simm.s32 $0x2;
	s7 =	simm.s32 @!p0 $0x0  }
0xb: {  	s11 =	smov.u32 s4;
	[sflag:s6] =	ssyncpa.u1 $0x0;
	s7 =	sadd.s32 s9, s7  }
0xc: {  	vm0 =	vmmov $0xffff;
	[sflag:s10] =	ssyncpa.u1 $0x0;
	s10 =	simm.s32 $0x0;
	s9 =	sadd.s32 $0x1, s7  }
.LBB2_4:
0xd: {  	vm1 =	veq.s32 v4, $0x80000000;
	v56 =	vand.u32 $0x7, v4;
	v6 =	vand.u32 $0x7FFF, v6  }
0xe: {  	v2 =	vor.u32 v2, v5;
	v59 =	vshrl.u32 v1, $0x3;
	v60 =	vand.u32 $0x7, v1  }
0xf: {  	v4 =	vsel vm1, $0xFFFFFFFF, v56;
	v6 =	vsel vm1, $0xFFFFFFFF, v6;
	v2 =	vor.u32 v3, v2  }
0x10: {  	vm1 =	veq.s32 v1, $0x80000000;
	v5 =	vand.u32 $0x7FFF, v59;
	v7 =	vshrl.u32 v4, $0x3  }
0x11: {  	v57 =	vshll.u32 v6, $0x3;
	v4 =	vshll.u32 v4, $0x7;
	v1 =	vsel vm1, $0xFFFFFFFF, v60  }
0x12: {  	v5 =	vsel vm1, $0xFFFFFFFF, v5;
	v6 =	vand.u32 $0x7F, v6;
	v7 =	vmul.u32 $0x27400, v7  }
0x13: {  	v58 =	vand.u32 $0xFFFFFC00, v57;
	v4 =	vand.u32 $0x380, v4;
	v61 =	vshrl.u32 v1, $0x3  }
0x14: {  	v62 =	vshll.u32 v5, $0x3;
	v3 =	vadd.s32 v7, v58;
	v7 =	vmul.u32 $0x27400, v61  }
0x15: {  	v1 =	vshll.u32 v1, $0x7;
	v3 =	vor.u32 v4, v3;
	v4 =	vand.u32 $0xFFFFFC00, v62  }
0x16: {  	v1 =	vand.u32 $0x380, v1;
	v3 =	vor.u32 v6, v3;
	v4 =	vadd.s32 v7, v4  }
0x17: {  	[tilespmem:s16], [sflag:$0x1] =	stream.indirect_vreg.gather [hbm4b:s2+s10], $0x1, v0, vm0, $0x4038;
	v63 =	vand.u32 $0x7F, v5;
	v1 =	vor.u32 v1, v4;
	[tilespmem:$0x2580] =	vst v63  }
0x18: {  	s15 =	sadd.s32 $0x10, s15;
	(ifvalue) =	ssetifvalue $0x7FFFFFFF;
	v0 =	vor.u32 v63, v1  }
0x19: {  	[tilespmem:s15], [sflag:$0x1] =	stream.indirect_vreg.gather [hbm4b:s2+s10], $0x1, v2, vm0, $0x4038;
	[tilespmem:$0x2580] =	vst v63  }
0x1a: {  	s15 =	sadd.s32 $0x10, s15;
	(ifvalue) =	ssetifvalue $0x7FFFFFFF  }
0x1b: {  	[tilespmem:s15], [sflag:$0x1] =	stream.indirect_vreg.gather [hbm4b:s2+s10], $0x1, v3, vm0, $0x4038;
	[tilespmem:$0x2580] =	vst v63  }
0x1c: {  	s15 =	sadd.s32 $0x10, s15;
	(ifvalue) =	ssetifvalue $0x7FFFFFFF  }
0x1d: {  	[tilespmem:s15], [sflag:$0x1] =	stream.indirect_vreg.gather [hbm4b:s2+s10], $0x1, v0, vm0, $0x4038;
	[tilespmem:$0x2580] =	vst v63  }
0x1e: {  	_ =	swait.ge [sflag:s5], $0x960  }
0x1f: {  	s30 =	sshrl.u32 s13, $0x3;
	[sflag:s5] =	ssyncset.done $0x0  }
0x20: {  	s31 =	sand.u32 $0x7, s13;
	s15 =	sadd.s32 s8, s30;
	[sflag:s5] =	ssyncadd.s32 $0xFFFFF6A0  }
0x21: {  	[hbm4b:s15+s31] =	stream.linear.scatter [tilespmem:s14], [sflag:$0x3], $0x960, $0x38;
	[tilespmem:$0x2580] =	vst v63  }
.LBB2_5:
0x22: {  	s15 =	sadd.s32 $0x12C00, s11  }
0x23: {  	p1 =	sgt.s32 s15, $0x176FF  }
0x24: {  	s15 =	smov.u32 @p1 s4;
	p1 =	sne.s32 s12, s9  }
.Ltmp1:
0x25: {  	p0 =	slt.u32 s12, $0x2;
	(pc) =	sbr.rel @!p1 .LBB2_6-.Ltmp1, $4  }
0x26: {  	s14 =	simm.s32 @!p0 $0x3  }
0x27: {  	_ =	swait.ge @!p0 [sflag:s14], $0x960  }
0x28: {  	s16 =	sadd.s32 $0x1, s12;
	s13 =	smov.u32 s11;
	[sflag:s14] =	ssyncset.done @!p0 $0x0  }
0x29: {  	s12 =	smov.u32 s16;
	s11 =	smov.u32 s15;
	[sflag:s14] =	ssyncadd.s32 @!p0 $0xFFFFF6A0  }
.LBB2_1:
0x2a: {  	p0 =	sge.u32 s12, s7  }
0x2b: {  	s14 =	sxor.u32 @!p0 $0x1, s12  }
0x2c: {  	s14 =	smul.u32 @!p0 $0x2580, s14  }
0x2d: {  	s31 =	sadd.s32 $0xFFFFFFFF, s12;
	s15 =	sshrl.u32 @!p0 s11, $0x3  }
0x2e: {  	s16 =	sand.u32 @!p0 $0x7, s11;
	s15 =	sadd.s32 @!p0 s3, s15;
	s14 =	sshra.s32 @!p0 s14, $0x2  }
0x2f: {  	[tilespmem:s14], [sflag:$0x2] =	stream.linear.gather @!p0 [hbm4b:s15+s16], $0x960, $0x38;
	[tilespmem:$0x2580] =	vst v63  }
0x30: {  	p0 =	sge.u32 s31, s7  }
.Ltmp2:
0x31: {  	_ = 	snop;
	(pc) =	sbr.rel @p0 .LBB2_5-.Ltmp2, $1  }
0x32: {  	_ =	sdelay $0x3  }
0x33: {  	s14 =	sand.u32 $0x1, s12  }
0x34: {  	_ =	swait.ge [sflag:s6], $0x960;
	p0 =	seq.s32 s14, $0x1;
	s14 =	simm.s32 $0x960  }
0x35: {  	[sflag:s6] =	ssyncset.done $0x0;
	s14 =	simm.s32 @!p0 $0x0  }
0x36: {  	[sflag:s6] =	ssyncadd.s32 $0xFFFFF6A0;
	(ifvalue) =	ssetifvalue $0x7FFFFFFF;
	v0 =	vld.msk [tilespmem:s14+$0x0 ss:$0x1], $0xffff  }
0x37: {  	s15 =	sadd.s32 $0x10, s14  }
0x38: {  	v1 =	vld.msk [tilespmem:s15+$0x0 ss:$0x1], $0xffff;
	_ =	sdelay $0x2  }
0x39: {  	v2 =	vshrl.u32 v0, $0x3  }
0x3a: {  	vm1 =	veq.s32 v0, $0x80000000;
	v0 =	vand.u32 $0x7, v0;
	v2 =	vand.u32 $0x7FFF, v2  }
0x3b: {  	v0 =	vsel vm1, $0xFFFFFFFF, v0;
	v6 =	vshrl.u32 v1, $0x3;
	v2 =	vsel vm1, $0xFFFFFFFF, v2  }
0x3c: {  	v3 =	vshrl.u32 v0, $0x3;
	v0 =	vshll.u32 v0, $0x7;
	vm1 =	veq.s32 v1, $0x80000000  }
0x3d: {  	s15 =	sadd.s32 $0x10, s15;
	v1 =	vand.u32 $0x7, v1;
	v4 =	vshll.u32 v2, $0x3;
	v3 =	vmul.u32 $0x27400, v3  }
0x3e: {  	v0 =	vand.u32 $0x380, v0;
	v7 =	vand.u32 $0x7F, v2;
	v5 =	vand.u32 $0xFFFFFC00, v4;
	v4 =	vld.msk [tilespmem:s15+$0x0 ss:$0x1], $0xffff  }
0x3f: {  	v1 =	vsel vm1, $0xFFFFFFFF, v1;
	v2 =	vadd.s32 v3, v5;
	v3 =	vand.u32 $0x7FFF, v6  }
0x40: {  	v3 =	vsel vm1, $0xFFFFFFFF, v3;
	v0 =	vor.u32 v0, v2;
	v2 =	vshrl.u32 v1, $0x3  }
0x41: {  	v1 =	vshll.u32 v1, $0x7;
	v5 =	vshll.u32 v3, $0x3;
	v8 =	vmul.u32 $0x27400, v2  }
0x42: {  	s18 =	simm.s32 $0x30;
	s14 =	sadd.s32 $0x12C0, s14;
	s17 =	sadd.s32 $0x10, s15;
	v2 =	vand.u32 $0x380, v1;
	v0 =	vor.u32 v7, v0;
	v5 =	vand.u32 $0xFFFFFC00, v5  }
0x43: {  	s16 =	smov.u32 s14;
	s15 =	smov.u32 s14;
	v1 =	vld.msk [tilespmem:s17+$0x0 ss:$0x1], $0xffff;
	v3 =	vand.u32 $0x7F, v3;
	(ifvalue) =	ssetifvalue $0x7FFFFFFF;
	v6 =	vshrl.u32 v4, $0x3;
	v5 =	vadd.s32 v8, v5  }
.LBB2_3:
0x44: {  	s18 =	sadd.s32 $0x10, s18  }
0x45: {  	vm1 =	veq.s32 v4, $0x80000000;
	v4 =	vand.u32 $0x7, v4;
	v6 =	vand.u32 $0x7FFF, v6;
	s15 =	sadd.s32 $0x10, s15;
	p0 =	slt.u32 s18, $0x950  }
.Ltmp3:
0x46: {  	v5 =	vor.u32 v2, v5;
	v4 =	vsel vm1, $0xFFFFFFFF, v4;
	v7 =	vsel vm1, $0xFFFFFFFF, v6;
	(pc) =	sbr.rel @p0 .LBB2_3-.Ltmp3, $4  }
0x47: {  	v2 =	vshrl.u32 v4, $0x3;
	v6 =	vshll.u32 v7, $0x3;
	v4 =	vshll.u32 v4, $0x7;
	[tilespmem:s16], [sflag:$0x1] =	stream.indirect_vreg.gather [hbm4b:s2+s10], $0x1, v0, vm0, $0x4038;
	[tilespmem:$0x2580] =	vst v63  }
0x48: {  	v0 =	vor.u32 v3, v5;
	s16 =	smov.u32 s15;
	v8 =	vmul.u32 $0x27400, v2;
	v2 =	vand.u32 $0x380, v4  }
0x49: {  	s17 =	sadd.s32 $0x10, s17;
	v9 =	vand.u32 $0xFFFFFC00, v6  }
0x4a: {  	v3 =	vand.u32 $0x7F, v7;
	v6 =	vshrl.u32 v1, $0x3;
	v5 =	vadd.s32 v8, v9;
	(ifvalue) =	ssetifvalue $0x7FFFFFFF;
	v4 =	vmovc v1;
	v1 =	vld.msk [tilespmem:s17+$0x0 ss:$0x1], $0xffff  }
.Ltmp4:
0x4b: {  	_ = 	snop;
	(pc) =	sbr.rel .LBB2_4-.Ltmp4, $1  }
0x4c: {  	_ =	sdelay $0x3  }
.LBB2_6:
0x4d: {  	_ =	sfence.sel $0x180000  }
0x4e: {  	s2 =	simm.s32 $0x2;
	[bflag:$0x0] =	sbarrier.arrive $0xFFFF  }
0x4f: {  	s30 =	simm.s32 $0x3;
	[sflag:s2] =	ssyncpa.u1 $0x1  }
0x50: {  	s31 =	simm.s32 $0x1;
	[sflag:s30] =	ssyncpa.u1 $0x1  }
0x51: {  	[sflag:s31] =	ssyncpa.u1 $0x1  }
0x52: {  	p0 =	sne.s32 s1, $0x0;
	_ =	strace $0x9000004D  }
0x53: {  	s0 =	sadd.s32 @!p0 $0x100000, s0;
	[bflag:$0x2] =	sbarrier.arrive $0xFFFF  }
0x54: {  	[sflag:s0] =	ssyncadd.tile.s32 @!p0 $0x1;
	_ =	shalt  }
.Lfunc_end2:
_tile_overlayer_lowered:
.L_overlay_start_2:
0x55: {  	(tag) =	ssettag $0x2  }
0x56: {  	s0 =	rddreg [dreg:$0x0];
	s2 =	stileid.u32  }
0x57: {  	s1 =	rddreg [dreg:$0x1];
	p0 =	sne.s32 s2, $0x0  }
0x58: {  	s3 =	rddreg [dreg:$0x2];
	[bflag:$0x3] =	sbarrier.arrive $0xFFFF;
	s2 =	simm.s32 @!p0 $0x1C01  }
0x59: {  	[timem:s3], [sflag:s2] =	dma.local @!p0 [hbm:s0], s1  }
0x5a: {  	s0 =	simm.s32 @!p0 $0x1  }
0x5b: {  	_ =	swait.ge @!p0 [sflag:s0], s1  }
0x5c: {  	s1 =	ssub.s32 @!p0 $0x0, s1;
	[sflag:s0] =	ssyncset.done @!p0 $0x0  }
0x5d: {  	[sflag:s0] =	ssyncadd.s32 @!p0 s1  }
0x5e: {  	[bflag:$0x3] =	sbarrier.arrive $0xFFFF  }
0x5f: {  	_ =	shalt  }

// kernel: gather_offload_async_start.2
scs
__scs_entry_jumppad:
0x0: {  	(pc) =	sbr.rel $0x88, $3  }
0x1: {  	(tag) =	ssettag $0x0;
	lr =	simm.s32 $0x1  }
0x2: {  	[smem:$0x3F9C] =	sst lr;
	_ =	strace $0xD0000000  }
0x3: {  	_ = 	snop  }
0x4: {  	_ = 	snop  }
0x5: {  	_ = 	snop  }
0x6: {  	_ = 	snop  }
0x7: {  	_ = 	snop  }
__scs_overlays_trampoline_lowered:
0x8: {  	[smem:$0x3FAB] =	sst s0  }
0x9: {  	[smem:$0x3FAC] =	sst s1  }
0xa: {  	[smem:$0x3FAD] =	sst s2  }
0xb: {  	[smem:$0x3FAE] =	sst s3  }
0xc: {  	[smem:$0x3FAF] =	sst s4  }
0xd: {  	[smem:$0x3FB0] =	sst s5  }
0xe: {  	[smem:$0x3FB1] =	sst s6  }
0xf: {  	[smem:$0x3FB2] =	sst s7  }
0x10: {  	[smem:$0x3FB3] =	sst s8  }
0x11: {  	[smem:$0x3FB4] =	sst s9;
	s0 =	simm.s32 @!p0 $0x0  }
0x12: {  	s1 =	sld [smem:$0x3F9A];
	s0 =	simm.s32 @p0 $0x1  }
0x13: {  	[smem:$0x3FB5] =	sst s0;
	s0 =	simm.s32 @!p1 $0x0  }
0x14: {  	s2 =	sld [smem:$0x3F99];
	s0 =	simm.s32 @p1 $0x1  }
0x15: {  	[smem:$0x3FB6] =	sst s0;
	s0 =	simm.s32 @!p2 $0x0  }
0x16: {  	s3 =	sld [smem:$0x3FDB];
	s0 =	simm.s32 @p2 $0x1  }
0x17: {  	s4 =	simm.s32 $0x1BF5;
	[smem:$0x3FB8] =	sst s0  }
0x18: {  	s0 =	sld [smem:$0x3F9B];
	_ =	swait.ge [sflag:s4], $0x0  }
0x19: {  	s7 =	sld [smem:$0x3F9C]  }
0x1a: {  	s8 =	sadd.s32 $0xFFFFE003, lr  }
0x1b: {  	s9 =	sadd.s32 $0xFFFFFEF7, lr;
	s5 =	simm.s32 $0xFFFFFFFF;
	p2 =	slt.u32 s8, $0xFFFFF086  }
0x1c: {  	p1 =	slt.u32 s9, $0xF7A;
	s5 =	simm.s32 @!p2 $0x0  }
0x1d: {  	s5 =	simm.s32 @p1 $0x1;
	p0 =	seq.s32 s7, s2  }
0x1e: {  	s7 =	smul.u32 @!p0 $0xF7A, s2;
	p2 =	seq.s32 @!p0 s5, $0x0  }
0x1f: {  	s9 =	smul.u32 $0xF7A, s1;
	s8 =	simm.s32 @!p0 $0x1BF5;
	p2 =	por !p2, p0  }
0x20: {  	[sflag:s8] =	ssyncset.s32 @!p0 $0xFFFFF086;
	s6 =	sadd.s32 @!p0 s3, s7;
	s7 =	simm.s32 @!p0 $0x108  }
0x21: {  	s3 =	sadd.s32 s3, s9;
	s6 =	sadd.s32 @!p0 $0x88, s6;
	s7 =	simm.s32 @p2 $0x1082  }
0x22: {  	[simem:s7], [sflag:s8] =	dma.local @!p0 [hbm:s6], $0xF7A  }
0x23: {  	s9 =	sor.u32 $0xD0000000, s2;
	s6 =	simm.s32 $0x108;
	_ =	swait.ge @!p0 [sflag:s8], $0x0  }
0x24: {  	s3 =	sadd.s32 $0x88, s3;
	s6 =	simm.s32 @!p1 $0x1082;
	[sflag:s4] =	ssyncset.s32 $0xFFFFF086  }
0x25: {  	[simem:s6], [sflag:s4] =	dma.local [hbm:s3], $0xF7A  }
0x26: {  	[smem:$0x3F9C] =	sst s1;
	(tag) =	ssettag s2;
	_ =	strace s9  }
0x27: {  	s1 =	sld [smem:$0x3FAC]  }
0x28: {  	s2 =	sld [smem:$0x3FAD]  }
0x29: {  	s4 =	sld [smem:$0x3FAF]  }
0x2a: {  	p0 =	seq.s32 s5, $0x0;
	s5 =	sld [smem:$0x3FB0]  }
0x2b: {  	s6 =	sld [smem:$0x3FB1]  }
0x2c: {  	s7 =	sld [smem:$0x3FB2]  }
0x2d: {  	s3 =	simm.s32 $0x108;
	s8 =	sld [smem:$0x3FB3]  }
0x2e: {  	s3 =	simm.s32 @!p0 $0x1082;
	s9 =	sld [smem:$0x3FB4]  }
0x2f: {  	lr =	sadd.s32 s0, s3;
	s0 =	sld [smem:$0x3FAB]  }
0x30: {  	s3 =	sld [smem:$0x3FAE]  }
0x31: {  	[smem:$0x3FB7] =	sst s10  }
0x32: {  	s10 =	sld [smem:$0x3FB5];
	_ =	sdelay $0x3  }
0x33: {  	p0 =	seq.s32 s10, $0x1;
	s10 =	sld [smem:$0x3FB7];
	_ =	sdelay $0x3  }
0x34: {  	[smem:$0x3FB7] =	sst s10  }
0x35: {  	s10 =	sld [smem:$0x3FB6];
	_ =	sdelay $0x3  }
0x36: {  	p1 =	seq.s32 s10, $0x1;
	s10 =	sld [smem:$0x3FB7];
	_ =	sdelay $0x3  }
0x37: {  	[smem:$0x3FB7] =	sst s10  }
0x38: {  	s10 =	sld [smem:$0x3FB8]  }
0x39: {  	_ = 	snop;
	(pc) =	sbr.ind lr, $3  }
0x3a: {  	_ = 	snop  }
0x3b: {  	_ = 	snop  }
0x3c: {  	p2 =	seq.s32 s10, $0x1;
	s10 =	sld [smem:$0x3FB7]  }
0x3d: {  	_ =	shalt  }
0x3e: {  	_ =	shalt  }
0x3f: {  	_ =	shalt  }
0x40: {  	_ =	shalt  }
0x41: {  	_ =	shalt  }
0x42: {  	_ =	shalt  }
0x43: {  	_ =	shalt  }
0x44: {  	_ =	shalt  }
0x45: {  	_ =	shalt  }
0x46: {  	_ =	shalt  }
0x47: {  	_ =	shalt  }
0x48: {  	_ =	shalt  }
0x49: {  	_ =	shalt  }
0x4a: {  	_ =	shalt  }
0x4b: {  	_ =	shalt  }
0x4c: {  	_ =	shalt  }
0x4d: {  	_ =	shalt  }
0x4e: {  	_ =	shalt  }
0x4f: {  	_ =	shalt  }
0x50: {  	_ =	shalt  }
0x51: {  	_ =	shalt  }
0x52: {  	_ =	shalt  }
0x53: {  	_ =	shalt  }
0x54: {  	_ =	shalt  }
0x55: {  	_ =	shalt  }
0x56: {  	_ =	shalt  }
0x57: {  	_ =	shalt  }
0x58: {  	_ =	shalt  }
0x59: {  	_ =	shalt  }
0x5a: {  	_ =	shalt  }
0x5b: {  	_ =	shalt  }
0x5c: {  	_ =	shalt  }
0x5d: {  	_ =	shalt  }
0x5e: {  	_ =	shalt  }
0x5f: {  	_ =	shalt  }
0x60: {  	_ =	shalt  }
0x61: {  	_ =	shalt  }
0x62: {  	_ =	shalt  }
0x63: {  	_ =	shalt  }
0x64: {  	_ =	shalt  }
0x65: {  	_ =	shalt  }
0x66: {  	_ =	shalt  }
0x67: {  	_ =	shalt  }
0x68: {  	_ =	shalt  }
0x69: {  	_ =	shalt  }
0x6a: {  	_ =	shalt  }
0x6b: {  	_ =	shalt  }
0x6c: {  	_ =	shalt  }
0x6d: {  	_ =	shalt  }
0x6e: {  	_ =	shalt  }
0x6f: {  	_ =	shalt  }
0x70: {  	_ =	shalt  }
0x71: {  	_ =	shalt  }
0x72: {  	_ =	shalt  }
0x73: {  	_ =	shalt  }
0x74: {  	_ =	shalt  }
0x75: {  	_ =	shalt  }
0x76: {  	_ =	shalt  }
0x77: {  	_ =	shalt  }
0x78: {  	_ =	shalt  }
0x79: {  	_ =	shalt  }
0x7a: {  	_ =	shalt  }
0x7b: {  	_ =	shalt  }
0x7c: {  	_ =	shalt  }
0x7d: {  	_ =	shalt  }
0x7e: {  	_ =	shalt  }
0x7f: {  	_ =	shalt  }
0x80: {  	_ =	shalt  }
0x81: {  	_ =	shalt  }
0x82: {  	_ =	shalt  }
0x83: {  	_ =	shalt  }
0x84: {  	_ =	shalt  }
0x85: {  	_ =	shalt  }
0x86: {  	_ =	shalt  }
0x87: {  	_ =	shalt  }
.Lfunc_end0:
.L_simem_size_0:
called_computation.2_lowered:
.L_overlay_start_0:
0x88: {  	s2 =	sld [smem:$0x3FD9]  }
0x89: {  	s3 =	sld [smem:$0x3FFE];
	_ =	sdelay $0x1  }
0x8a: {  	s1 =	srdreg.scid  }
0x8b: {  	s0 =	sand.u32 $0x1, s1  }
0x8c: {  	s16 =	sshll.u32 s0, $0xA;
	s2 =	sadd.s32 s3, s2  }
0x8d: {  	s2 =	sadd.s32 s2, s16  }
0x8e: {  	[smem:$0x3FC3] =	sst s2  }
0x8f: {  	_ = 	snop  }
0x90: {  	(tm) =	ssettm $0x1  }
0x91: {  	s17 =	sld [smem:$0x3FFB];
	_ =	sdelay $0x3  }
0x92: {  	_ =	strace s17  }
0x93: {  	s2 =	sld [smem:$0x3FFC];
	_ =	sdelay $0x3  }
0x94: {  	_ =	strace s2  }
0x95: {  	s2 =	sld [smem:$0x3FFD];
	_ =	sdelay $0x3  }
0x96: {  	_ =	strace s2  }
0x97: {  	_ =	strace $0x8FFFFFFF  }
0x98: {  	s18 =	sld [smem:$0x3FDB];
	_ =	sdelay $0x1  }
0x99: {  	s19 =	simm.s32 $_scs_section_size  }
0x9a: {  	s4 =	simm.s32 $_size__tile_overlayer_lowered;
	s5 =	simm.s32 $_tile_overlayer_lowered  }
0x9b: {  	s22 =	simm.s32 $0x1BFF;
	s21 =	sshll.u32 s5, $0x1;
	s2 =	sadd.s32 s19, s18  }
0x9c: {  	s6 =	simm.s32 $0x0;
	s20 =	sshll.u32 s4, $0x1;
	s4 =	sadd.s32 s21, s2  }
0x9d: {  	[timem:s6], [sflag:s22] =	dma.local [hbm:s4], s20  }
0x9e: {  	_ =	swait.ge [sflag:s22], s20  }
0x9f: {  	s3 =	ssub.s32 $0x0, s20;
	[sflag:s22] =	ssyncset.done $0x0  }
0xa0: {  	[sflag:s22] =	ssyncadd.s32 s3;
	_ =	sdelay $0x1  }
0xa1: {  	s23 =	simm.s32 $0x1B8B  }
0xa2: {  	_ =	swait.ge [sflag:s23], $0x1  }
0xa3: {  	[sflag:s23] =	ssyncset.done $0x0  }
0xa4: {  	s25 =	simm.s32 $0x1B8E;
	s24 =	sld [smem:$0x3FFE];
	[sflag:s23] =	ssyncadd.s32 $0xFFFFFFFF  }
0xa5: {  	s26 =	simm.s32 $execute0_lowered;
	[smem:$0x3FD2] =	sst s25  }
0xa6: {  	s4 =	sshll.u32 s26, $0x1;
	_ =	strace $0x8000004F;
	[dreg:$0x1] =	wrdreg $0xFFFFFFFF  }
0xa7: {  	s28 =	simm.s32 $_size_execute0_lowered;
	s2 =	sadd.s32 s2, s4;
	[dreg:$0x0] =	wrdreg $0x0  }
0xa8: {  	s4 =	sshll.u32 s28, $0x1;
	[dreg:$0x2] =	wrdreg s2  }
0xa9: {  	[dreg:$0x3] =	wrdreg s4  }
0xaa: {  	[dreg:$0x4] =	wrdreg $0xC0  }
0xab: {  	_ =	task [dreg:s6], $0x5FFFF  }
0xac: {  	[dreg:$0x1] =	wrdreg $0xFFFFFFFF  }
0xad: {  	[dreg:$0x0] =	wrdreg $0x60  }
0xae: {  	[dreg:$0x2] =	wrdreg s24  }
0xaf: {  	[dreg:$0x3] =	wrdreg $0x9  }
0xb0: {  	_ =	task.clear_ibuf [dreg:s6], $0x4FFFF;
	_ =	strace $0x9000004F  }
0xb1: {  	s29 =	simm.s32 $0x9;
	_ =	strace $0x80000051  }
0xb2: {  	_ =	swait.ge [sflag:s29], $0x1  }
0xb3: {  	[sflag:s29] =	ssyncadd.s32 $0xFFFFFFFF  }
0xb4: {  	_ =	strace $0x90000051  }
0xb5: {  	_ =	sfence  }
0xb6: {  	s30 =	sld [smem:$0x0];
	_ =	sdelay $0x2  }
0xb7: {  	s31 =	sshll.u32 s1, $0xD;
	s1 =	sshrl.u32 s1, $0x2  }
0xb8: {  	s3 =	sand.u32 $0x4000, s31;
	s1 =	sadd.s32 s1, s30  }
0xb9: {  	s0 =	sor.u32 s3, s0;
	s1 =	sshll.u32 s1, $0x11  }
0xba: {  	s0 =	sor.u32 s1, s0  }
0xbb: {  	s0 =	sadd.s32 $0x8F2B, s0  }
0xbc: {  	[sflag:s0] =	ssyncadd.remote.s32 $0x1  }
0xbd: {  	_ =	sfence.sel $0xFFFF  }
0xbe: {  	[dreg:$0x0] =	wrdreg $0xFFFFFFFF;
	(pc) =	sbr.abs _section_cstart, $3  }
0xbf: {  	[dreg:$0x1] =	wrdreg $0xFFFFFFFF  }
0xc0: {  	_ =	task.clear_ibuf [dreg:s6], $0x2FFFF;
	_ =	strace $0x9FFFFFFF  }
0xc1: {  	(tm) =	ssettm $0x7FFFFFFF  }
tec
execute0_lowered:
.L_overlay_start_1:
0x0: {  	(tag) =	ssettag $0x1  }
0x1: {  	s8 =	rddreg [dreg:$0x0];
	s1 =	stileid.u32  }
0x2: {  	s2 =	srdreg.scid;
	s0 =	rddreg [dreg:$0x1]  }
0x3: {  	_ =	strace $0x80000050;
	s5 =	simm.s32 $0x1;
	s9 =	simm.s32 $0x1  }
0x4: {  	s10 =	simm.s32 $0x3;
	s2 =	sand.u32 $0x1, s2;
	s3 =	sshll.u32 s1, $0x1  }
0x5: {  	s13 =	simm.s32 $0x0;
	s12 =	simm.s32 $0x0;
	s6 =	sor.u32 s3, s2  }
0x6: {  	[sflag:s5] =	ssyncpa.u1 $0x0;
	s2 =	sadd.s32 $0xB400, s8;
	s4 =	smul.u32 $0x960, s6  }
0x7: {  	s3 =	sadd.s32 $0x1F400, s8;
	p0 =	slt.u32 s6, $0x9;
	s6 =	simm.s32 $0x12C00  }
.Ltmp0:
0x8: {  	s6 =	simm.s32 @!p0 $0x0;
	s7 =	ssub.s32 $0x17700, s4;
	(pc) =	sbr.rel .LBB2_1-.Ltmp0, $4  }
0x9: {  	s9 =	simm.s32 @!p0 $0x0;
	p0 =	sne.s32 s7, s6;
	s7 =	simm.s32 $0x1  }
0xa: {  	s8 =	sadd.s32 $0x18400, s8;
	s6 =	simm.s32 $0x2;
	s7 =	simm.s32 @!p0 $0x0  }
0xb: {  	s11 =	smov.u32 s4;
	[sflag:s6] =	ssyncpa.u1 $0x0;
	s7 =	sadd.s32 s9, s7  }
0xc: {  	vm0 =	vmmov $0xffff;
	[sflag:s10] =	ssyncpa.u1 $0x0;
	s10 =	simm.s32 $0x0;
	s9 =	sadd.s32 $0x1, s7  }
.LBB2_4:
0xd: {  	vm1 =	veq.s32 v4, $0x80000000;
	v56 =	vand.u32 $0x7, v4;
	v6 =	vand.u32 $0x7FFF, v6  }
0xe: {  	v2 =	vor.u32 v2, v5;
	v59 =	vshrl.u32 v1, $0x3;
	v60 =	vand.u32 $0x7, v1  }
0xf: {  	v4 =	vsel vm1, $0xFFFFFFFF, v56;
	v6 =	vsel vm1, $0xFFFFFFFF, v6;
	v2 =	vor.u32 v3, v2  }
0x10: {  	vm1 =	veq.s32 v1, $0x80000000;
	v5 =	vand.u32 $0x7FFF, v59;
	v7 =	vshrl.u32 v4, $0x3  }
0x11: {  	v57 =	vshll.u32 v6, $0x3;
	v4 =	vshll.u32 v4, $0x7;
	v1 =	vsel vm1, $0xFFFFFFFF, v60  }
0x12: {  	v5 =	vsel vm1, $0xFFFFFFFF, v5;
	v6 =	vand.u32 $0x7F, v6;
	v7 =	vmul.u32 $0x27400, v7  }
0x13: {  	v58 =	vand.u32 $0xFFFFFC00, v57;
	v4 =	vand.u32 $0x380, v4;
	v61 =	vshrl.u32 v1, $0x3  }
0x14: {  	v62 =	vshll.u32 v5, $0x3;
	v3 =	vadd.s32 v7, v58;
	v7 =	vmul.u32 $0x27400, v61  }
0x15: {  	v1 =	vshll.u32 v1, $0x7;
	v3 =	vor.u32 v4, v3;
	v4 =	vand.u32 $0xFFFFFC00, v62  }
0x16: {  	v1 =	vand.u32 $0x380, v1;
	v3 =	vor.u32 v6, v3;
	v4 =	vadd.s32 v7, v4  }
0x17: {  	[tilespmem:s16], [sflag:$0x1] =	stream.indirect_vreg.gather [hbm4b:s2+s10], $0x1, v0, vm0, $0x4038;
	v63 =	vand.u32 $0x7F, v5;
	v1 =	vor.u32 v1, v4;
	[tilespmem:$0x2580] =	vst v63  }
0x18: {  	s15 =	sadd.s32 $0x10, s15;
	(ifvalue) =	ssetifvalue $0x7FFFFFFF;
	v0 =	vor.u32 v63, v1  }
0x19: {  	[tilespmem:s15], [sflag:$0x1] =	stream.indirect_vreg.gather [hbm4b:s2+s10], $0x1, v2, vm0, $0x4038;
	[tilespmem:$0x2580] =	vst v63  }
0x1a: {  	s15 =	sadd.s32 $0x10, s15;
	(ifvalue) =	ssetifvalue $0x7FFFFFFF  }
0x1b: {  	[tilespmem:s15], [sflag:$0x1] =	stream.indirect_vreg.gather [hbm4b:s2+s10], $0x1, v3, vm0, $0x4038;
	[tilespmem:$0x2580] =	vst v63  }
0x1c: {  	s15 =	sadd.s32 $0x10, s15;
	(ifvalue) =	ssetifvalue $0x7FFFFFFF  }
0x1d: {  	[tilespmem:s15], [sflag:$0x1] =	stream.indirect_vreg.gather [hbm4b:s2+s10], $0x1, v0, vm0, $0x4038;
	[tilespmem:$0x2580] =	vst v63  }
0x1e: {  	_ =	swait.ge [sflag:s5], $0x960  }
0x1f: {  	s30 =	sshrl.u32 s13, $0x3;
	[sflag:s5] =	ssyncset.done $0x0  }
0x20: {  	s31 =	sand.u32 $0x7, s13;
	s15 =	sadd.s32 s8, s30;
	[sflag:s5] =	ssyncadd.s32 $0xFFFFF6A0  }
0x21: {  	[hbm4b:s15+s31] =	stream.linear.scatter [tilespmem:s14], [sflag:$0x3], $0x960, $0x38;
	[tilespmem:$0x2580] =	vst v63  }
.LBB2_5:
0x22: {  	s15 =	sadd.s32 $0x12C00, s11  }
0x23: {  	p1 =	sgt.s32 s15, $0x176FF  }
0x24: {  	s15 =	smov.u32 @p1 s4;
	p1 =	sne.s32 s12, s9  }
.Ltmp1:
0x25: {  	p0 =	slt.u32 s12, $0x2;
	(pc) =	sbr.rel @!p1 .LBB2_6-.Ltmp1, $4  }
0x26: {  	s14 =	simm.s32 @!p0 $0x3  }
0x27: {  	_ =	swait.ge @!p0 [sflag:s14], $0x960  }
0x28: {  	s16 =	sadd.s32 $0x1, s12;
	s13 =	smov.u32 s11;
	[sflag:s14] =	ssyncset.done @!p0 $0x0  }
0x29: {  	s12 =	smov.u32 s16;
	s11 =	smov.u32 s15;
	[sflag:s14] =	ssyncadd.s32 @!p0 $0xFFFFF6A0  }
.LBB2_1:
0x2a: {  	p0 =	sge.u32 s12, s7  }
0x2b: {  	s14 =	sxor.u32 @!p0 $0x1, s12  }
0x2c: {  	s14 =	smul.u32 @!p0 $0x2580, s14  }
0x2d: {  	s31 =	sadd.s32 $0xFFFFFFFF, s12;
	s15 =	sshrl.u32 @!p0 s11, $0x3  }
0x2e: {  	s16 =	sand.u32 @!p0 $0x7, s11;
	s15 =	sadd.s32 @!p0 s3, s15;
	s14 =	sshra.s32 @!p0 s14, $0x2  }
0x2f: {  	[tilespmem:s14], [sflag:$0x2] =	stream.linear.gather @!p0 [hbm4b:s15+s16], $0x960, $0x38;
	[tilespmem:$0x2580] =	vst v63  }
0x30: {  	p0 =	sge.u32 s31, s7  }
.Ltmp2:
0x31: {  	_ = 	snop;
	(pc) =	sbr.rel @p0 .LBB2_5-.Ltmp2, $1  }
0x32: {  	_ =	sdelay $0x3  }
0x33: {  	s14 =	sand.u32 $0x1, s12  }
0x34: {  	_ =	swait.ge [sflag:s6], $0x960;
	p0 =	seq.s32 s14, $0x1;
	s14 =	simm.s32 $0x960  }
0x35: {  	[sflag:s6] =	ssyncset.done $0x0;
	s14 =	simm.s32 @!p0 $0x0  }
0x36: {  	[sflag:s6] =	ssyncadd.s32 $0xFFFFF6A0;
	(ifvalue) =	ssetifvalue $0x7FFFFFFF;
	v0 =	vld.msk [tilespmem:s14+$0x0 ss:$0x1], $0xffff  }
0x37: {  	s15 =	sadd.s32 $0x10, s14  }
0x38: {  	v1 =	vld.msk [tilespmem:s15+$0x0 ss:$0x1], $0xffff;
	_ =	sdelay $0x2  }
0x39: {  	v2 =	vshrl.u32 v0, $0x3  }
0x3a: {  	vm1 =	veq.s32 v0, $0x80000000;
	v0 =	vand.u32 $0x7, v0;
	v2 =	vand.u32 $0x7FFF, v2  }
0x3b: {  	v0 =	vsel vm1, $0xFFFFFFFF, v0;
	v6 =	vshrl.u32 v1, $0x3;
	v2 =	vsel vm1, $0xFFFFFFFF, v2  }
0x3c: {  	v3 =	vshrl.u32 v0, $0x3;
	v0 =	vshll.u32 v0, $0x7;
	vm1 =	veq.s32 v1, $0x80000000  }
0x3d: {  	s15 =	sadd.s32 $0x10, s15;
	v1 =	vand.u32 $0x7, v1;
	v4 =	vshll.u32 v2, $0x3;
	v3 =	vmul.u32 $0x27400, v3  }
0x3e: {  	v0 =	vand.u32 $0x380, v0;
	v7 =	vand.u32 $0x7F, v2;
	v5 =	vand.u32 $0xFFFFFC00, v4;
	v4 =	vld.msk [tilespmem:s15+$0x0 ss:$0x1], $0xffff  }
0x3f: {  	v1 =	vsel vm1, $0xFFFFFFFF, v1;
	v2 =	vadd.s32 v3, v5;
	v3 =	vand.u32 $0x7FFF, v6  }
0x40: {  	v3 =	vsel vm1, $0xFFFFFFFF, v3;
	v0 =	vor.u32 v0, v2;
	v2 =	vshrl.u32 v1, $0x3  }
0x41: {  	v1 =	vshll.u32 v1, $0x7;
	v5 =	vshll.u32 v3, $0x3;
	v8 =	vmul.u32 $0x27400, v2  }
0x42: {  	s18 =	simm.s32 $0x30;
	s14 =	sadd.s32 $0x12C0, s14;
	s17 =	sadd.s32 $0x10, s15;
	v2 =	vand.u32 $0x380, v1;
	v0 =	vor.u32 v7, v0;
	v5 =	vand.u32 $0xFFFFFC00, v5  }
0x43: {  	s16 =	smov.u32 s14;
	s15 =	smov.u32 s14;
	v1 =	vld.msk [tilespmem:s17+$0x0 ss:$0x1], $0xffff;
	v3 =	vand.u32 $0x7F, v3;
	(ifvalue) =	ssetifvalue $0x7FFFFFFF;
	v6 =	vshrl.u32 v4, $0x3;
	v5 =	vadd.s32 v8, v5  }
.LBB2_3:
0x44: {  	s18 =	sadd.s32 $0x10, s18  }
0x45: {  	vm1 =	veq.s32 v4, $0x80000000;
	v4 =	vand.u32 $0x7, v4;
	v6 =	vand.u32 $0x7FFF, v6;
	s15 =	sadd.s32 $0x10, s15;
	p0 =	slt.u32 s18, $0x950  }
.Ltmp3:
0x46: {  	v5 =	vor.u32 v2, v5;
	v4 =	vsel vm1, $0xFFFFFFFF, v4;
	v7 =	vsel vm1, $0xFFFFFFFF, v6;
	(pc) =	sbr.rel @p0 .LBB2_3-.Ltmp3, $4  }
0x47: {  	v2 =	vshrl.u32 v4, $0x3;
	v6 =	vshll.u32 v7, $0x3;
	v4 =	vshll.u32 v4, $0x7;
	[tilespmem:s16], [sflag:$0x1] =	stream.indirect_vreg.gather [hbm4b:s2+s10], $0x1, v0, vm0, $0x4038;
	[tilespmem:$0x2580] =	vst v63  }
0x48: {  	v0 =	vor.u32 v3, v5;
	s16 =	smov.u32 s15;
	v8 =	vmul.u32 $0x27400, v2;
	v2 =	vand.u32 $0x380, v4  }
0x49: {  	s17 =	sadd.s32 $0x10, s17;
	v9 =	vand.u32 $0xFFFFFC00, v6  }
0x4a: {  	v3 =	vand.u32 $0x7F, v7;
	v6 =	vshrl.u32 v1, $0x3;
	v5 =	vadd.s32 v8, v9;
	(ifvalue) =	ssetifvalue $0x7FFFFFFF;
	v4 =	vmovc v1;
	v1 =	vld.msk [tilespmem:s17+$0x0 ss:$0x1], $0xffff  }
.Ltmp4:
0x4b: {  	_ = 	snop;
	(pc) =	sbr.rel .LBB2_4-.Ltmp4, $1  }
0x4c: {  	_ =	sdelay $0x3  }
.LBB2_6:
0x4d: {  	_ =	sfence.sel $0x180000  }
0x4e: {  	s2 =	simm.s32 $0x2;
	[bflag:$0x0] =	sbarrier.arrive $0xFFFF  }
0x4f: {  	s30 =	simm.s32 $0x3;
	[sflag:s2] =	ssyncpa.u1 $0x1  }
0x50: {  	s31 =	simm.s32 $0x1;
	[sflag:s30] =	ssyncpa.u1 $0x1  }
0x51: {  	[sflag:s31] =	ssyncpa.u1 $0x1  }
0x52: {  	p0 =	sne.s32 s1, $0x0;
	_ =	strace $0x90000050  }
0x53: {  	s0 =	sadd.s32 @!p0 $0x100000, s0;
	[bflag:$0x2] =	sbarrier.arrive $0xFFFF  }
0x54: {  	[sflag:s0] =	ssyncadd.tile.s32 @!p0 $0x1;
	_ =	shalt  }
.Lfunc_end2:
_tile_overlayer_lowered:
.L_overlay_start_2:
0x55: {  	(tag) =	ssettag $0x2  }
0x56: {  	s0 =	rddreg [dreg:$0x0];
	s2 =	stileid.u32  }
0x57: {  	s1 =	rddreg [dreg:$0x1];
	p0 =	sne.s32 s2, $0x0  }
0x58: {  	s3 =	rddreg [dreg:$0x2];
	[bflag:$0x3] =	sbarrier.arrive $0xFFFF;
	s2 =	simm.s32 @!p0 $0x1C01  }
0x59: {  	[timem:s3], [sflag:s2] =	dma.local @!p0 [hbm:s0], s1  }
0x5a: {  	s0 =	simm.s32 @!p0 $0x1  }
0x5b: {  	_ =	swait.ge @!p0 [sflag:s0], s1  }
0x5c: {  	s1 =	ssub.s32 @!p0 $0x0, s1;
	[sflag:s0] =	ssyncset.done @!p0 $0x0  }
0x5d: {  	[sflag:s0] =	ssyncadd.s32 @!p0 s1  }
0x5e: {  	[bflag:$0x3] =	sbarrier.arrive $0xFFFF  }
0x5f: {  	_ =	shalt  }

// kernel: gather_offload_async_start.3
scs
__scs_entry_jumppad:
0x0: {  	(pc) =	sbr.rel $0x88, $3  }
0x1: {  	(tag) =	ssettag $0x0;
	lr =	simm.s32 $0x1  }
0x2: {  	[smem:$0x3F9C] =	sst lr;
	_ =	strace $0xD0000000  }
0x3: {  	_ = 	snop  }
0x4: {  	_ = 	snop  }
0x5: {  	_ = 	snop  }
0x6: {  	_ = 	snop  }
0x7: {  	_ = 	snop  }
__scs_overlays_trampoline_lowered:
0x8: {  	[smem:$0x3FAB] =	sst s0  }
0x9: {  	[smem:$0x3FAC] =	sst s1  }
0xa: {  	[smem:$0x3FAD] =	sst s2  }
0xb: {  	[smem:$0x3FAE] =	sst s3  }
0xc: {  	[smem:$0x3FAF] =	sst s4  }
0xd: {  	[smem:$0x3FB0] =	sst s5  }
0xe: {  	[smem:$0x3FB1] =	sst s6  }
0xf: {  	[smem:$0x3FB2] =	sst s7  }
0x10: {  	[smem:$0x3FB3] =	sst s8  }
0x11: {  	[smem:$0x3FB4] =	sst s9;
	s0 =	simm.s32 @!p0 $0x0  }
0x12: {  	s1 =	sld [smem:$0x3F9A];
	s0 =	simm.s32 @p0 $0x1  }
0x13: {  	[smem:$0x3FB5] =	sst s0;
	s0 =	simm.s32 @!p1 $0x0  }
0x14: {  	s2 =	sld [smem:$0x3F99];
	s0 =	simm.s32 @p1 $0x1  }
0x15: {  	[smem:$0x3FB6] =	sst s0;
	s0 =	simm.s32 @!p2 $0x0  }
0x16: {  	s3 =	sld [smem:$0x3FDB];
	s0 =	simm.s32 @p2 $0x1  }
0x17: {  	s4 =	simm.s32 $0x1BF5;
	[smem:$0x3FB8] =	sst s0  }
0x18: {  	s0 =	sld [smem:$0x3F9B];
	_ =	swait.ge [sflag:s4], $0x0  }
0x19: {  	s7 =	sld [smem:$0x3F9C]  }
0x1a: {  	s8 =	sadd.s32 $0xFFFFE003, lr  }
0x1b: {  	s9 =	sadd.s32 $0xFFFFFEF7, lr;
	s5 =	simm.s32 $0xFFFFFFFF;
	p2 =	slt.u32 s8, $0xFFFFF086  }
0x1c: {  	p1 =	slt.u32 s9, $0xF7A;
	s5 =	simm.s32 @!p2 $0x0  }
0x1d: {  	s5 =	simm.s32 @p1 $0x1;
	p0 =	seq.s32 s7, s2  }
0x1e: {  	s7 =	smul.u32 @!p0 $0xF7A, s2;
	p2 =	seq.s32 @!p0 s5, $0x0  }
0x1f: {  	s9 =	smul.u32 $0xF7A, s1;
	s8 =	simm.s32 @!p0 $0x1BF5;
	p2 =	por !p2, p0  }
0x20: {  	[sflag:s8] =	ssyncset.s32 @!p0 $0xFFFFF086;
	s6 =	sadd.s32 @!p0 s3, s7;
	s7 =	simm.s32 @!p0 $0x108  }
0x21: {  	s3 =	sadd.s32 s3, s9;
	s6 =	sadd.s32 @!p0 $0x88, s6;
	s7 =	simm.s32 @p2 $0x1082  }
0x22: {  	[simem:s7], [sflag:s8] =	dma.local @!p0 [hbm:s6], $0xF7A  }
0x23: {  	s9 =	sor.u32 $0xD0000000, s2;
	s6 =	simm.s32 $0x108;
	_ =	swait.ge @!p0 [sflag:s8], $0x0  }
0x24: {  	s3 =	sadd.s32 $0x88, s3;
	s6 =	simm.s32 @!p1 $0x1082;
	[sflag:s4] =	ssyncset.s32 $0xFFFFF086  }
0x25: {  	[simem:s6], [sflag:s4] =	dma.local [hbm:s3], $0xF7A  }
0x26: {  	[smem:$0x3F9C] =	sst s1;
	(tag) =	ssettag s2;
	_ =	strace s9  }
0x27: {  	s1 =	sld [smem:$0x3FAC]  }
0x28: {  	s2 =	sld [smem:$0x3FAD]  }
0x29: {  	s4 =	sld [smem:$0x3FAF]  }
0x2a: {  	p0 =	seq.s32 s5, $0x0;
	s5 =	sld [smem:$0x3FB0]  }
0x2b: {  	s6 =	sld [smem:$0x3FB1]  }
0x2c: {  	s7 =	sld [smem:$0x3FB2]  }
0x2d: {  	s3 =	simm.s32 $0x108;
	s8 =	sld [smem:$0x3FB3]  }
0x2e: {  	s3 =	simm.s32 @!p0 $0x1082;
	s9 =	sld [smem:$0x3FB4]  }
0x2f: {  	lr =	sadd.s32 s0, s3;
	s0 =	sld [smem:$0x3FAB]  }
0x30: {  	s3 =	sld [smem:$0x3FAE]  }
0x31: {  	[smem:$0x3FB7] =	sst s10  }
0x32: {  	s10 =	sld [smem:$0x3FB5];
	_ =	sdelay $0x3  }
0x33: {  	p0 =	seq.s32 s10, $0x1;
	s10 =	sld [smem:$0x3FB7];
	_ =	sdelay $0x3  }
0x34: {  	[smem:$0x3FB7] =	sst s10  }
0x35: {  	s10 =	sld [smem:$0x3FB6];
	_ =	sdelay $0x3  }
0x36: {  	p1 =	seq.s32 s10, $0x1;
	s10 =	sld [smem:$0x3FB7];
	_ =	sdelay $0x3  }
0x37: {  	[smem:$0x3FB7] =	sst s10  }
0x38: {  	s10 =	sld [smem:$0x3FB8]  }
0x39: {  	_ = 	snop;
	(pc) =	sbr.ind lr, $3  }
0x3a: {  	_ = 	snop  }
0x3b: {  	_ = 	snop  }
0x3c: {  	p2 =	seq.s32 s10, $0x1;
	s10 =	sld [smem:$0x3FB7]  }
0x3d: {  	_ =	shalt  }
0x3e: {  	_ =	shalt  }
0x3f: {  	_ =	shalt  }
0x40: {  	_ =	shalt  }
0x41: {  	_ =	shalt  }
0x42: {  	_ =	shalt  }
0x43: {  	_ =	shalt  }
0x44: {  	_ =	shalt  }
0x45: {  	_ =	shalt  }
0x46: {  	_ =	shalt  }
0x47: {  	_ =	shalt  }
0x48: {  	_ =	shalt  }
0x49: {  	_ =	shalt  }
0x4a: {  	_ =	shalt  }
0x4b: {  	_ =	shalt  }
0x4c: {  	_ =	shalt  }
0x4d: {  	_ =	shalt  }
0x4e: {  	_ =	shalt  }
0x4f: {  	_ =	shalt  }
0x50: {  	_ =	shalt  }
0x51: {  	_ =	shalt  }
0x52: {  	_ =	shalt  }
0x53: {  	_ =	shalt  }
0x54: {  	_ =	shalt  }
0x55: {  	_ =	shalt  }
0x56: {  	_ =	shalt  }
0x57: {  	_ =	shalt  }
0x58: {  	_ =	shalt  }
0x59: {  	_ =	shalt  }
0x5a: {  	_ =	shalt  }
0x5b: {  	_ =	shalt  }
0x5c: {  	_ =	shalt  }
0x5d: {  	_ =	shalt  }
0x5e: {  	_ =	shalt  }
0x5f: {  	_ =	shalt  }
0x60: {  	_ =	shalt  }
0x61: {  	_ =	shalt  }
0x62: {  	_ =	shalt  }
0x63: {  	_ =	shalt  }
0x64: {  	_ =	shalt  }
0x65: {  	_ =	shalt  }
0x66: {  	_ =	shalt  }
0x67: {  	_ =	shalt  }
0x68: {  	_ =	shalt  }
0x69: {  	_ =	shalt  }
0x6a: {  	_ =	shalt  }
0x6b: {  	_ =	shalt  }
0x6c: {  	_ =	shalt  }
0x6d: {  	_ =	shalt  }
0x6e: {  	_ =	shalt  }
0x6f: {  	_ =	shalt  }
0x70: {  	_ =	shalt  }
0x71: {  	_ =	shalt  }
0x72: {  	_ =	shalt  }
0x73: {  	_ =	shalt  }
0x74: {  	_ =	shalt  }
0x75: {  	_ =	shalt  }
0x76: {  	_ =	shalt  }
0x77: {  	_ =	shalt  }
0x78: {  	_ =	shalt  }
0x79: {  	_ =	shalt  }
0x7a: {  	_ =	shalt  }
0x7b: {  	_ =	shalt  }
0x7c: {  	_ =	shalt  }
0x7d: {  	_ =	shalt  }
0x7e: {  	_ =	shalt  }
0x7f: {  	_ =	shalt  }
0x80: {  	_ =	shalt  }
0x81: {  	_ =	shalt  }
0x82: {  	_ =	shalt  }
0x83: {  	_ =	shalt  }
0x84: {  	_ =	shalt  }
0x85: {  	_ =	shalt  }
0x86: {  	_ =	shalt  }
0x87: {  	_ =	shalt  }
.Lfunc_end0:
.L_simem_size_0:
called_computation.3_lowered:
.L_overlay_start_0:
0x88: {  	s2 =	sld [smem:$0x3FD9]  }
0x89: {  	s3 =	sld [smem:$0x3FFE];
	_ =	sdelay $0x1  }
0x8a: {  	s1 =	srdreg.scid  }
0x8b: {  	s0 =	sand.u32 $0x1, s1  }
0x8c: {  	s17 =	sshll.u32 s0, $0xA;
	s2 =	sadd.s32 s3, s2  }
0x8d: {  	s2 =	sadd.s32 s2, s17  }
0x8e: {  	[smem:$0x3FC3] =	sst s2  }
0x8f: {  	_ = 	snop  }
0x90: {  	(tm) =	ssettm $0x1  }
0x91: {  	s18 =	sld [smem:$0x3FFB];
	_ =	sdelay $0x3  }
0x92: {  	_ =	strace s18  }
0x93: {  	s2 =	sld [smem:$0x3FFC];
	_ =	sdelay $0x3  }
0x94: {  	_ =	strace s2  }
0x95: {  	s2 =	sld [smem:$0x3FFD];
	_ =	sdelay $0x3  }
0x96: {  	_ =	strace s2  }
0x97: {  	_ =	strace $0x8FFFFFFF  }
0x98: {  	s19 =	sld [smem:$0x3FDB];
	_ =	sdelay $0x1  }
0x99: {  	s20 =	simm.s32 $_scs_section_size  }
0x9a: {  	s4 =	simm.s32 $_size__tile_overlayer_lowered;
	s5 =	simm.s32 $_tile_overlayer_lowered  }
0x9b: {  	s6 =	simm.s32 $0x1BFF;
	s21 =	sshll.u32 s5, $0x1;
	s3 =	sadd.s32 s20, s19  }
0x9c: {  	s22 =	simm.s32 $0x0;
	s4 =	sshll.u32 s4, $0x1;
	s5 =	sadd.s32 s21, s3  }
0x9d: {  	[timem:s22], [sflag:s6] =	dma.local [hbm:s5], s4  }
0x9e: {  	_ =	swait.ge [sflag:s6], s4  }
0x9f: {  	s4 =	ssub.s32 $0x0, s4;
	[sflag:s6] =	ssyncset.done $0x0  }
0xa0: {  	[sflag:s6] =	ssyncadd.s32 s4;
	_ =	sdelay $0x1  }
0xa1: {  	s23 =	simm.s32 $0x1B8B  }
0xa2: {  	_ =	swait.ge [sflag:s23], $0x1  }
0xa3: {  	[sflag:s23] =	ssyncset.done $0x0  }
0xa4: {  	[sflag:s23] =	ssyncadd.s32 $0xFFFFFFFF  }
0xa5: {  	s4 =	sld [smem:$0x0]  }
0xa6: {  	s5 =	sand.u32 $0xFFFFFFFE, s1  }
0xa7: {  	p0 =	sne.s32 s1, s5  }
0xa8: {  	s5 =	sshll.u32 @p0 s5, $0xE  }
0xa9: {  	s5 =	sadd.s32 @p0 $0x11B8D, s5;
	s6 =	sshll.u32 @p0 s4, $0x11  }
0xaa: {  	s5 =	sor.u32 @p0 s6, s5  }
0xab: {  	[sflag:s5] =	ssyncadd.remote.s32 @p0 $0x1;
	_ =	sdelay $0x1  }
0xac: {  	s5 =	simm.s32 @p0 $0x1B8D  }
0xad: {  	_ =	swait.eq @p0 [sflag:s5], $0x1  }
0xae: {  	[sflag:s5] =	ssyncadd.s32 @p0 $0xFFFFFFFF  }
0xaf: {  	s6 =	sshll.u32 @!p0 s1, $0xE  }
0xb0: {  	s6 =	sor.u32 @!p0 $0x4000, s6;
	s5 =	simm.s32 @!p0 $0x1B8D  }
0xb1: {  	s4 =	sshll.u32 @!p0 s4, $0x11;
	s6 =	sadd.s32 @!p0 $0x11B8D, s6;
	_ =	swait.eq @!p0 [sflag:s5], $0x1  }
0xb2: {  	s4 =	sor.u32 @!p0 s4, s6;
	[sflag:s5] =	ssyncadd.s32 @!p0 $0xFFFFFFFF  }
0xb3: {  	s25 =	simm.s32 $0x1B8E;
	s24 =	sld [smem:$0x3FFE];
	[sflag:s4] =	ssyncadd.remote.s32 @!p0 $0x1  }
0xb4: {  	s26 =	simm.s32 $execute0_lowered;
	[smem:$0x3FD2] =	sst s25  }
0xb5: {  	s5 =	sshll.u32 s26, $0x1;
	_ =	strace $0x80000052;
	[dreg:$0x1] =	wrdreg $0xFFFFFFFF  }
0xb6: {  	s28 =	simm.s32 $_size_execute0_lowered;
	s3 =	sadd.s32 s3, s5;
	[dreg:$0x0] =	wrdreg $0x0  }
0xb7: {  	s5 =	sshll.u32 s28, $0x1;
	[dreg:$0x2] =	wrdreg s3  }
0xb8: {  	[dreg:$0x3] =	wrdreg s5  }
0xb9: {  	[dreg:$0x4] =	wrdreg $0xC0  }
0xba: {  	_ =	task [dreg:s22], $0x5FFFF  }
0xbb: {  	[dreg:$0x1] =	wrdreg $0xFFFFFFFF  }
0xbc: {  	[dreg:$0x0] =	wrdreg $0x60  }
0xbd: {  	[dreg:$0x2] =	wrdreg s24  }
0xbe: {  	[dreg:$0x3] =	wrdreg $0xA  }
0xbf: {  	_ =	task.clear_ibuf [dreg:s22], $0x4FFFF;
	_ =	strace $0x90000052  }
0xc0: {  	s29 =	simm.s32 $0xA;
	_ =	strace $0x80000054  }
0xc1: {  	_ =	swait.ge [sflag:s29], $0x1  }
0xc2: {  	[sflag:s29] =	ssyncadd.s32 $0xFFFFFFFF  }
0xc3: {  	_ =	strace $0x90000054  }
0xc4: {  	_ =	sfence  }
0xc5: {  	s30 =	sld [smem:$0x0];
	_ =	sdelay $0x2  }
0xc6: {  	s31 =	sshll.u32 s1, $0xD;
	s1 =	sshrl.u32 s1, $0x2  }
0xc7: {  	s4 =	sand.u32 $0x4000, s31;
	s1 =	sadd.s32 s1, s30  }
0xc8: {  	s0 =	sor.u32 s4, s0;
	s1 =	sshll.u32 s1, $0x11  }
0xc9: {  	s0 =	sor.u32 s1, s0  }
0xca: {  	s0 =	sadd.s32 $0x8F2B, s0  }
0xcb: {  	[sflag:s0] =	ssyncadd.remote.s32 $0x1  }
0xcc: {  	_ =	sfence.sel $0xFFFF  }
0xcd: {  	[dreg:$0x0] =	wrdreg $0xFFFFFFFF;
	(pc) =	sbr.abs _section_cstart, $3  }
0xce: {  	[dreg:$0x1] =	wrdreg $0xFFFFFFFF  }
0xcf: {  	_ =	task.clear_ibuf [dreg:s22], $0x2FFFF;
	_ =	strace $0x9FFFFFFF  }
0xd0: {  	(tm) =	ssettm $0x7FFFFFFF  }
0xd1: {  	_ =	shalt  }
tec
execute0_lowered:
.L_overlay_start_1:
0x0: {  	(tag) =	ssettag $0x1  }
0x1: {  	s8 =	rddreg [dreg:$0x0];
	s1 =	stileid.u32  }
0x2: {  	s2 =	srdreg.scid;
	s0 =	rddreg [dreg:$0x1]  }
0x3: {  	_ =	strace $0x80000053;
	s5 =	simm.s32 $0x1;
	s9 =	simm.s32 $0x1  }
0x4: {  	s10 =	simm.s32 $0x3;
	s2 =	sand.u32 $0x1, s2;
	s3 =	sshll.u32 s1, $0x1  }
0x5: {  	s13 =	simm.s32 $0x0;
	s12 =	simm.s32 $0x0;
	s6 =	sor.u32 s3, s2  }
0x6: {  	[sflag:s5] =	ssyncpa.u1 $0x0;
	s2 =	sadd.s32 $0x6400, s8;
	s4 =	smul.u32 $0x960, s6  }
0x7: {  	s3 =	sadd.s32 $0x1F400, s8;
	p0 =	slt.u32 s6, $0x9;
	s6 =	simm.s32 $0x12C00  }
.Ltmp0:
0x8: {  	s6 =	simm.s32 @!p0 $0x0;
	s7 =	ssub.s32 $0x17700, s4;
	(pc) =	sbr.rel .LBB2_1-.Ltmp0, $4  }
0x9: {  	s9 =	simm.s32 @!p0 $0x0;
	p0 =	sne.s32 s7, s6;
	s7 =	simm.s32 $0x1  }
0xa: {  	s8 =	sadd.s32 $0x1B400, s8;
	s6 =	simm.s32 $0x2;
	s7 =	simm.s32 @!p0 $0x0  }
0xb: {  	s11 =	smov.u32 s4;
	[sflag:s6] =	ssyncpa.u1 $0x0;
	s7 =	sadd.s32 s9, s7  }
0xc: {  	vm0 =	vmmov $0xffff;
	[sflag:s10] =	ssyncpa.u1 $0x0;
	s10 =	simm.s32 $0x0;
	s9 =	sadd.s32 $0x1, s7  }
.LBB2_4:
0xd: {  	vm1 =	veq.s32 v4, $0x80000000;
	v56 =	vand.u32 $0x7, v4;
	v6 =	vand.u32 $0x7FFF, v6  }
0xe: {  	v2 =	vor.u32 v2, v5;
	v59 =	vshrl.u32 v1, $0x3;
	v60 =	vand.u32 $0x7, v1  }
0xf: {  	v4 =	vsel vm1, $0xFFFFFFFF, v56;
	v6 =	vsel vm1, $0xFFFFFFFF, v6;
	v2 =	vor.u32 v3, v2  }
0x10: {  	vm1 =	veq.s32 v1, $0x80000000;
	v5 =	vand.u32 $0x7FFF, v59;
	v7 =	vshrl.u32 v4, $0x3  }
0x11: {  	v57 =	vshll.u32 v6, $0x3;
	v4 =	vshll.u32 v4, $0x7;
	v1 =	vsel vm1, $0xFFFFFFFF, v60  }
0x12: {  	v5 =	vsel vm1, $0xFFFFFFFF, v5;
	v6 =	vand.u32 $0x7F, v6;
	v7 =	vmul.u32 $0x27400, v7  }
0x13: {  	v58 =	vand.u32 $0xFFFFFC00, v57;
	v4 =	vand.u32 $0x380, v4;
	v61 =	vshrl.u32 v1, $0x3  }
0x14: {  	v62 =	vshll.u32 v5, $0x3;
	v3 =	vadd.s32 v7, v58;
	v7 =	vmul.u32 $0x27400, v61  }
0x15: {  	v1 =	vshll.u32 v1, $0x7;
	v3 =	vor.u32 v4, v3;
	v4 =	vand.u32 $0xFFFFFC00, v62  }
0x16: {  	v1 =	vand.u32 $0x380, v1;
	v3 =	vor.u32 v6, v3;
	v4 =	vadd.s32 v7, v4  }
0x17: {  	[tilespmem:s16], [sflag:$0x1] =	stream.indirect_vreg.gather [hbm4b:s2+s10], $0x1, v0, vm0, $0x4038;
	v63 =	vand.u32 $0x7F, v5;
	v1 =	vor.u32 v1, v4;
	[tilespmem:$0x2580] =	vst v63  }
0x18: {  	s15 =	sadd.s32 $0x10, s15;
	(ifvalue) =	ssetifvalue $0x7FFFFFFF;
	v0 =	vor.u32 v63, v1  }
0x19: {  	[tilespmem:s15], [sflag:$0x1] =	stream.indirect_vreg.gather [hbm4b:s2+s10], $0x1, v2, vm0, $0x4038;
	[tilespmem:$0x2580] =	vst v63  }
0x1a: {  	s15 =	sadd.s32 $0x10, s15;
	(ifvalue) =	ssetifvalue $0x7FFFFFFF  }
0x1b: {  	[tilespmem:s15], [sflag:$0x1] =	stream.indirect_vreg.gather [hbm4b:s2+s10], $0x1, v3, vm0, $0x4038;
	[tilespmem:$0x2580] =	vst v63  }
0x1c: {  	s15 =	sadd.s32 $0x10, s15;
	(ifvalue) =	ssetifvalue $0x7FFFFFFF  }
0x1d: {  	[tilespmem:s15], [sflag:$0x1] =	stream.indirect_vreg.gather [hbm4b:s2+s10], $0x1, v0, vm0, $0x4038;
	[tilespmem:$0x2580] =	vst v63  }
0x1e: {  	_ =	swait.ge [sflag:s5], $0x960  }
0x1f: {  	s30 =	sshrl.u32 s13, $0x3;
	[sflag:s5] =	ssyncset.done $0x0  }
0x20: {  	s31 =	sand.u32 $0x7, s13;
	s15 =	sadd.s32 s8, s30;
	[sflag:s5] =	ssyncadd.s32 $0xFFFFF6A0  }
0x21: {  	[hbm4b:s15+s31] =	stream.linear.scatter [tilespmem:s14], [sflag:$0x3], $0x960, $0x38;
	[tilespmem:$0x2580] =	vst v63  }
.LBB2_5:
0x22: {  	s15 =	sadd.s32 $0x12C00, s11  }
0x23: {  	p1 =	sgt.s32 s15, $0x176FF  }
0x24: {  	s15 =	smov.u32 @p1 s4;
	p1 =	sne.s32 s12, s9  }
.Ltmp1:
0x25: {  	p0 =	slt.u32 s12, $0x2;
	(pc) =	sbr.rel @!p1 .LBB2_6-.Ltmp1, $4  }
0x26: {  	s14 =	simm.s32 @!p0 $0x3  }
0x27: {  	_ =	swait.ge @!p0 [sflag:s14], $0x960  }
0x28: {  	s16 =	sadd.s32 $0x1, s12;
	s13 =	smov.u32 s11;
	[sflag:s14] =	ssyncset.done @!p0 $0x0  }
0x29: {  	s12 =	smov.u32 s16;
	s11 =	smov.u32 s15;
	[sflag:s14] =	ssyncadd.s32 @!p0 $0xFFFFF6A0  }
.LBB2_1:
0x2a: {  	p0 =	sge.u32 s12, s7  }
0x2b: {  	s14 =	sxor.u32 @!p0 $0x1, s12  }
0x2c: {  	s14 =	smul.u32 @!p0 $0x2580, s14  }
0x2d: {  	s31 =	sadd.s32 $0xFFFFFFFF, s12;
	s15 =	sshrl.u32 @!p0 s11, $0x3  }
0x2e: {  	s16 =	sand.u32 @!p0 $0x7, s11;
	s15 =	sadd.s32 @!p0 s3, s15;
	s14 =	sshra.s32 @!p0 s14, $0x2  }
0x2f: {  	[tilespmem:s14], [sflag:$0x2] =	stream.linear.gather @!p0 [hbm4b:s15+s16], $0x960, $0x38;
	[tilespmem:$0x2580] =	vst v63  }
0x30: {  	p0 =	sge.u32 s31, s7  }
.Ltmp2:
0x31: {  	_ = 	snop;
	(pc) =	sbr.rel @p0 .LBB2_5-.Ltmp2, $1  }
0x32: {  	_ =	sdelay $0x3  }
0x33: {  	s14 =	sand.u32 $0x1, s12  }
0x34: {  	_ =	swait.ge [sflag:s6], $0x960;
	p0 =	seq.s32 s14, $0x1;
	s14 =	simm.s32 $0x960  }
0x35: {  	[sflag:s6] =	ssyncset.done $0x0;
	s14 =	simm.s32 @!p0 $0x0  }
0x36: {  	[sflag:s6] =	ssyncadd.s32 $0xFFFFF6A0;
	(ifvalue) =	ssetifvalue $0x7FFFFFFF;
	v0 =	vld.msk [tilespmem:s14+$0x0 ss:$0x1], $0xffff  }
0x37: {  	s15 =	sadd.s32 $0x10, s14  }
0x38: {  	v1 =	vld.msk [tilespmem:s15+$0x0 ss:$0x1], $0xffff;
	_ =	sdelay $0x2  }
0x39: {  	v2 =	vshrl.u32 v0, $0x3  }
0x3a: {  	vm1 =	veq.s32 v0, $0x80000000;
	v0 =	vand.u32 $0x7, v0;
	v2 =	vand.u32 $0x7FFF, v2  }
0x3b: {  	v0 =	vsel vm1, $0xFFFFFFFF, v0;
	v6 =	vshrl.u32 v1, $0x3;
	v2 =	vsel vm1, $0xFFFFFFFF, v2  }
0x3c: {  	v3 =	vshrl.u32 v0, $0x3;
	v0 =	vshll.u32 v0, $0x7;
	vm1 =	veq.s32 v1, $0x80000000  }
0x3d: {  	s15 =	sadd.s32 $0x10, s15;
	v1 =	vand.u32 $0x7, v1;
	v4 =	vshll.u32 v2, $0x3;
	v3 =	vmul.u32 $0x27400, v3  }
0x3e: {  	v0 =	vand.u32 $0x380, v0;
	v7 =	vand.u32 $0x7F, v2;
	v5 =	vand.u32 $0xFFFFFC00, v4;
	v4 =	vld.msk [tilespmem:s15+$0x0 ss:$0x1], $0xffff  }
0x3f: {  	v1 =	vsel vm1, $0xFFFFFFFF, v1;
	v2 =	vadd.s32 v3, v5;
	v3 =	vand.u32 $0x7FFF, v6  }
0x40: {  	v3 =	vsel vm1, $0xFFFFFFFF, v3;
	v0 =	vor.u32 v0, v2;
	v2 =	vshrl.u32 v1, $0x3  }
0x41: {  	v1 =	vshll.u32 v1, $0x7;
	v5 =	vshll.u32 v3, $0x3;
	v8 =	vmul.u32 $0x27400, v2  }
0x42: {  	s18 =	simm.s32 $0x30;
	s14 =	sadd.s32 $0x12C0, s14;
	s17 =	sadd.s32 $0x10, s15;
	v2 =	vand.u32 $0x380, v1;
	v0 =	vor.u32 v7, v0;
	v5 =	vand.u32 $0xFFFFFC00, v5  }
0x43: {  	s16 =	smov.u32 s14;
	s15 =	smov.u32 s14;
	v1 =	vld.msk [tilespmem:s17+$0x0 ss:$0x1], $0xffff;
	v3 =	vand.u32 $0x7F, v3;
	(ifvalue) =	ssetifvalue $0x7FFFFFFF;
	v6 =	vshrl.u32 v4, $0x3;
	v5 =	vadd.s32 v8, v5  }
.LBB2_3:
0x44: {  	s18 =	sadd.s32 $0x10, s18  }
0x45: {  	vm1 =	veq.s32 v4, $0x80000000;
	v4 =	vand.u32 $0x7, v4;
	v6 =	vand.u32 $0x7FFF, v6;
	s15 =	sadd.s32 $0x10, s15;
	p0 =	slt.u32 s18, $0x950  }
.Ltmp3:
0x46: {  	v5 =	vor.u32 v2, v5;
	v4 =	vsel vm1, $0xFFFFFFFF, v4;
	v7 =	vsel vm1, $0xFFFFFFFF, v6;
	(pc) =	sbr.rel @p0 .LBB2_3-.Ltmp3, $4  }
0x47: {  	v2 =	vshrl.u32 v4, $0x3;
	v6 =	vshll.u32 v7, $0x3;
	v4 =	vshll.u32 v4, $0x7;
	[tilespmem:s16], [sflag:$0x1] =	stream.indirect_vreg.gather [hbm4b:s2+s10], $0x1, v0, vm0, $0x4038;
	[tilespmem:$0x2580] =	vst v63  }
0x48: {  	v0 =	vor.u32 v3, v5;
	s16 =	smov.u32 s15;
	v8 =	vmul.u32 $0x27400, v2;
	v2 =	vand.u32 $0x380, v4  }
0x49: {  	s17 =	sadd.s32 $0x10, s17;
	v9 =	vand.u32 $0xFFFFFC00, v6  }
0x4a: {  	v3 =	vand.u32 $0x7F, v7;
	v6 =	vshrl.u32 v1, $0x3;
	v5 =	vadd.s32 v8, v9;
	(ifvalue) =	ssetifvalue $0x7FFFFFFF;
	v4 =	vmovc v1;
	v1 =	vld.msk [tilespmem:s17+$0x0 ss:$0x1], $0xffff  }
.Ltmp4:
0x4b: {  	_ = 	snop;
	(pc) =	sbr.rel .LBB2_4-.Ltmp4, $1  }
0x4c: {  	_ =	sdelay $0x3  }
.LBB2_6:
0x4d: {  	_ =	sfence.sel $0x180000  }
0x4e: {  	s2 =	simm.s32 $0x2;
	[bflag:$0x0] =	sbarrier.arrive $0xFFFF  }
0x4f: {  	s30 =	simm.s32 $0x3;
	[sflag:s2] =	ssyncpa.u1 $0x1  }
0x50: {  	s31 =	simm.s32 $0x1;
	[sflag:s30] =	ssyncpa.u1 $0x1  }
0x51: {  	[sflag:s31] =	ssyncpa.u1 $0x1  }
0x52: {  	p0 =	sne.s32 s1, $0x0;
	_ =	strace $0x90000053  }
0x53: {  	s0 =	sadd.s32 @!p0 $0x100000, s0;
	[bflag:$0x2] =	sbarrier.arrive $0xFFFF  }
0x54: {  	[sflag:s0] =	ssyncadd.tile.s32 @!p0 $0x1;
	_ =	shalt  }
.Lfunc_end2:
_tile_overlayer_lowered:
.L_overlay_start_2:
0x55: {  	(tag) =	ssettag $0x2  }
0x56: {  	s0 =	rddreg [dreg:$0x0];
	s2 =	stileid.u32  }
0x57: {  	s1 =	rddreg [dreg:$0x1];
	p0 =	sne.s32 s2, $0x0  }
0x58: {  	s3 =	rddreg [dreg:$0x2];
	[bflag:$0x3] =	sbarrier.arrive $0xFFFF;
	s2 =	simm.s32 @!p0 $0x1C01  }
0x59: {  	[timem:s3], [sflag:s2] =	dma.local @!p0 [hbm:s0], s1  }
0x5a: {  	s0 =	simm.s32 @!p0 $0x1  }
0x5b: {  	_ =	swait.ge @!p0 [sflag:s0], s1  }
0x5c: {  	s1 =	ssub.s32 @!p0 $0x0, s1;
	[sflag:s0] =	ssyncset.done @!p0 $0x0  }
0x5d: {  	[sflag:s0] =	ssyncadd.s32 @!p0 s1  }
0x5e: {  	[bflag:$0x3] =	sbarrier.arrive $0xFFFF  }
0x5f: {  	_ =	shalt  }

// kernel: gather_offload_async_start.4
scs
__scs_entry_jumppad:
0x0: {  	(pc) =	sbr.rel $0x88, $3  }
0x1: {  	(tag) =	ssettag $0x0;
	lr =	simm.s32 $0x1  }
0x2: {  	[smem:$0x3F9C] =	sst lr;
	_ =	strace $0xD0000000  }
0x3: {  	_ = 	snop  }
0x4: {  	_ = 	snop  }
0x5: {  	_ = 	snop  }
0x6: {  	_ = 	snop  }
0x7: {  	_ = 	snop  }
__scs_overlays_trampoline_lowered:
0x8: {  	[smem:$0x3FAB] =	sst s0  }
0x9: {  	[smem:$0x3FAC] =	sst s1  }
0xa: {  	[smem:$0x3FAD] =	sst s2  }
0xb: {  	[smem:$0x3FAE] =	sst s3  }
0xc: {  	[smem:$0x3FAF] =	sst s4  }
0xd: {  	[smem:$0x3FB0] =	sst s5  }
0xe: {  	[smem:$0x3FB1] =	sst s6  }
0xf: {  	[smem:$0x3FB2] =	sst s7  }
0x10: {  	[smem:$0x3FB3] =	sst s8  }
0x11: {  	[smem:$0x3FB4] =	sst s9;
	s0 =	simm.s32 @!p0 $0x0  }
0x12: {  	s1 =	sld [smem:$0x3F9A];
	s0 =	simm.s32 @p0 $0x1  }
0x13: {  	[smem:$0x3FB5] =	sst s0;
	s0 =	simm.s32 @!p1 $0x0  }
0x14: {  	s2 =	sld [smem:$0x3F99];
	s0 =	simm.s32 @p1 $0x1  }
0x15: {  	[smem:$0x3FB6] =	sst s0;
	s0 =	simm.s32 @!p2 $0x0  }
0x16: {  	s3 =	sld [smem:$0x3FDB];
	s0 =	simm.s32 @p2 $0x1  }
0x17: {  	s4 =	simm.s32 $0x1BF5;
	[smem:$0x3FB8] =	sst s0  }
0x18: {  	s0 =	sld [smem:$0x3F9B];
	_ =	swait.ge [sflag:s4], $0x0  }
0x19: {  	s7 =	sld [smem:$0x3F9C]  }
0x1a: {  	s8 =	sadd.s32 $0xFFFFE003, lr  }
0x1b: {  	s9 =	sadd.s32 $0xFFFFFEF7, lr;
	s5 =	simm.s32 $0xFFFFFFFF;
	p2 =	slt.u32 s8, $0xFFFFF086  }
0x1c: {  	p1 =	slt.u32 s9, $0xF7A;
	s5 =	simm.s32 @!p2 $0x0  }
0x1d: {  	s5 =	simm.s32 @p1 $0x1;
	p0 =	seq.s32 s7, s2  }
0x1e: {  	s7 =	smul.u32 @!p0 $0xF7A, s2;
	p2 =	seq.s32 @!p0 s5, $0x0  }
0x1f: {  	s9 =	smul.u32 $0xF7A, s1;
	s8 =	simm.s32 @!p0 $0x1BF5;
	p2 =	por !p2, p0  }
0x20: {  	[sflag:s8] =	ssyncset.s32 @!p0 $0xFFFFF086;
	s6 =	sadd.s32 @!p0 s3, s7;
	s7 =	simm.s32 @!p0 $0x108  }
0x21: {  	s3 =	sadd.s32 s3, s9;
	s6 =	sadd.s32 @!p0 $0x88, s6;
	s7 =	simm.s32 @p2 $0x1082  }
0x22: {  	[simem:s7], [sflag:s8] =	dma.local @!p0 [hbm:s6], $0xF7A  }
0x23: {  	s9 =	sor.u32 $0xD0000000, s2;
	s6 =	simm.s32 $0x108;
	_ =	swait.ge @!p0 [sflag:s8], $0x0  }
0x24: {  	s3 =	sadd.s32 $0x88, s3;
	s6 =	simm.s32 @!p1 $0x1082;
	[sflag:s4] =	ssyncset.s32 $0xFFFFF086  }
0x25: {  	[simem:s6], [sflag:s4] =	dma.local [hbm:s3], $0xF7A  }
0x26: {  	[smem:$0x3F9C] =	sst s1;
	(tag) =	ssettag s2;
	_ =	strace s9  }
0x27: {  	s1 =	sld [smem:$0x3FAC]  }
0x28: {  	s2 =	sld [smem:$0x3FAD]  }
0x29: {  	s4 =	sld [smem:$0x3FAF]  }
0x2a: {  	p0 =	seq.s32 s5, $0x0;
	s5 =	sld [smem:$0x3FB0]  }
0x2b: {  	s6 =	sld [smem:$0x3FB1]  }
0x2c: {  	s7 =	sld [smem:$0x3FB2]  }
0x2d: {  	s3 =	simm.s32 $0x108;
	s8 =	sld [smem:$0x3FB3]  }
0x2e: {  	s3 =	simm.s32 @!p0 $0x1082;
	s9 =	sld [smem:$0x3FB4]  }
0x2f: {  	lr =	sadd.s32 s0, s3;
	s0 =	sld [smem:$0x3FAB]  }
0x30: {  	s3 =	sld [smem:$0x3FAE]  }
0x31: {  	[smem:$0x3FB7] =	sst s10  }
0x32: {  	s10 =	sld [smem:$0x3FB5];
	_ =	sdelay $0x3  }
0x33: {  	p0 =	seq.s32 s10, $0x1;
	s10 =	sld [smem:$0x3FB7];
	_ =	sdelay $0x3  }
0x34: {  	[smem:$0x3FB7] =	sst s10  }
0x35: {  	s10 =	sld [smem:$0x3FB6];
	_ =	sdelay $0x3  }
0x36: {  	p1 =	seq.s32 s10, $0x1;
	s10 =	sld [smem:$0x3FB7];
	_ =	sdelay $0x3  }
0x37: {  	[smem:$0x3FB7] =	sst s10  }
0x38: {  	s10 =	sld [smem:$0x3FB8]  }
0x39: {  	_ = 	snop;
	(pc) =	sbr.ind lr, $3  }
0x3a: {  	_ = 	snop  }
0x3b: {  	_ = 	snop  }
0x3c: {  	p2 =	seq.s32 s10, $0x1;
	s10 =	sld [smem:$0x3FB7]  }
0x3d: {  	_ =	shalt  }
0x3e: {  	_ =	shalt  }
0x3f: {  	_ =	shalt  }
0x40: {  	_ =	shalt  }
0x41: {  	_ =	shalt  }
0x42: {  	_ =	shalt  }
0x43: {  	_ =	shalt  }
0x44: {  	_ =	shalt  }
0x45: {  	_ =	shalt  }
0x46: {  	_ =	shalt  }
0x47: {  	_ =	shalt  }
0x48: {  	_ =	shalt  }
0x49: {  	_ =	shalt  }
0x4a: {  	_ =	shalt  }
0x4b: {  	_ =	shalt  }
0x4c: {  	_ =	shalt  }
0x4d: {  	_ =	shalt  }
0x4e: {  	_ =	shalt  }
0x4f: {  	_ =	shalt  }
0x50: {  	_ =	shalt  }
0x51: {  	_ =	shalt  }
0x52: {  	_ =	shalt  }
0x53: {  	_ =	shalt  }
0x54: {  	_ =	shalt  }
0x55: {  	_ =	shalt  }
0x56: {  	_ =	shalt  }
0x57: {  	_ =	shalt  }
0x58: {  	_ =	shalt  }
0x59: {  	_ =	shalt  }
0x5a: {  	_ =	shalt  }
0x5b: {  	_ =	shalt  }
0x5c: {  	_ =	shalt  }
0x5d: {  	_ =	shalt  }
0x5e: {  	_ =	shalt  }
0x5f: {  	_ =	shalt  }
0x60: {  	_ =	shalt  }
0x61: {  	_ =	shalt  }
0x62: {  	_ =	shalt  }
0x63: {  	_ =	shalt  }
0x64: {  	_ =	shalt  }
0x65: {  	_ =	shalt  }
0x66: {  	_ =	shalt  }
0x67: {  	_ =	shalt  }
0x68: {  	_ =	shalt  }
0x69: {  	_ =	shalt  }
0x6a: {  	_ =	shalt  }
0x6b: {  	_ =	shalt  }
0x6c: {  	_ =	shalt  }
0x6d: {  	_ =	shalt  }
0x6e: {  	_ =	shalt  }
0x6f: {  	_ =	shalt  }
0x70: {  	_ =	shalt  }
0x71: {  	_ =	shalt  }
0x72: {  	_ =	shalt  }
0x73: {  	_ =	shalt  }
0x74: {  	_ =	shalt  }
0x75: {  	_ =	shalt  }
0x76: {  	_ =	shalt  }
0x77: {  	_ =	shalt  }
0x78: {  	_ =	shalt  }
0x79: {  	_ =	shalt  }
0x7a: {  	_ =	shalt  }
0x7b: {  	_ =	shalt  }
0x7c: {  	_ =	shalt  }
0x7d: {  	_ =	shalt  }
0x7e: {  	_ =	shalt  }
0x7f: {  	_ =	shalt  }
0x80: {  	_ =	shalt  }
0x81: {  	_ =	shalt  }
0x82: {  	_ =	shalt  }
0x83: {  	_ =	shalt  }
0x84: {  	_ =	shalt  }
0x85: {  	_ =	shalt  }
0x86: {  	_ =	shalt  }
0x87: {  	_ =	shalt  }
.Lfunc_end0:
.L_simem_size_0:
called_computation.4_lowered:
.L_overlay_start_0:
0x88: {  	s2 =	sld [smem:$0x3FD9]  }
0x89: {  	s3 =	sld [smem:$0x3FFE];
	_ =	sdelay $0x1  }
0x8a: {  	s1 =	srdreg.scid  }
0x8b: {  	s0 =	sand.u32 $0x1, s1  }
0x8c: {  	s16 =	sshll.u32 s0, $0xA;
	s2 =	sadd.s32 s3, s2  }
0x8d: {  	s2 =	sadd.s32 s2, s16  }
0x8e: {  	[smem:$0x3FC3] =	sst s2  }
0x8f: {  	_ = 	snop  }
0x90: {  	(tm) =	ssettm $0x1  }
0x91: {  	s17 =	sld [smem:$0x3FFB];
	_ =	sdelay $0x3  }
0x92: {  	_ =	strace s17  }
0x93: {  	s2 =	sld [smem:$0x3FFC];
	_ =	sdelay $0x3  }
0x94: {  	_ =	strace s2  }
0x95: {  	s2 =	sld [smem:$0x3FFD];
	_ =	sdelay $0x3  }
0x96: {  	_ =	strace s2  }
0x97: {  	_ =	strace $0x8FFFFFFF  }
0x98: {  	s18 =	sld [smem:$0x3FDB];
	_ =	sdelay $0x1  }
0x99: {  	s19 =	simm.s32 $_scs_section_size  }
0x9a: {  	s4 =	simm.s32 $_size__tile_overlayer_lowered;
	s5 =	simm.s32 $_tile_overlayer_lowered  }
0x9b: {  	s22 =	simm.s32 $0x1BFF;
	s21 =	sshll.u32 s5, $0x1;
	s2 =	sadd.s32 s19, s18  }
0x9c: {  	s6 =	simm.s32 $0x0;
	s20 =	sshll.u32 s4, $0x1;
	s4 =	sadd.s32 s21, s2  }
0x9d: {  	[timem:s6], [sflag:s22] =	dma.local [hbm:s4], s20  }
0x9e: {  	_ =	swait.ge [sflag:s22], s20  }
0x9f: {  	s3 =	ssub.s32 $0x0, s20;
	[sflag:s22] =	ssyncset.done $0x0  }
0xa0: {  	[sflag:s22] =	ssyncadd.s32 s3;
	_ =	sdelay $0x1  }
0xa1: {  	s23 =	simm.s32 $0x1B8B  }
0xa2: {  	_ =	swait.ge [sflag:s23], $0x1  }
0xa3: {  	[sflag:s23] =	ssyncset.done $0x0  }
0xa4: {  	s25 =	simm.s32 $0x1B8E;
	s24 =	sld [smem:$0x3FFE];
	[sflag:s23] =	ssyncadd.s32 $0xFFFFFFFF  }
0xa5: {  	s26 =	simm.s32 $execute0_lowered;
	[smem:$0x3FD2] =	sst s25  }
0xa6: {  	s4 =	sshll.u32 s26, $0x1;
	_ =	strace $0x80000046;
	[dreg:$0x1] =	wrdreg $0xFFFFFFFF  }
0xa7: {  	s28 =	simm.s32 $_size_execute0_lowered;
	s2 =	sadd.s32 s2, s4;
	[dreg:$0x0] =	wrdreg $0x0  }
0xa8: {  	s4 =	sshll.u32 s28, $0x1;
	[dreg:$0x2] =	wrdreg s2  }
0xa9: {  	[dreg:$0x3] =	wrdreg s4  }
0xaa: {  	[dreg:$0x4] =	wrdreg $0xC0  }
0xab: {  	_ =	task [dreg:s6], $0x5FFFF  }
0xac: {  	[dreg:$0x1] =	wrdreg $0xFFFFFFFF  }
0xad: {  	[dreg:$0x0] =	wrdreg $0x60  }
0xae: {  	[dreg:$0x2] =	wrdreg s24  }
0xaf: {  	[dreg:$0x3] =	wrdreg $0x9  }
0xb0: {  	_ =	task.clear_ibuf [dreg:s6], $0x4FFFF;
	_ =	strace $0x90000046  }
0xb1: {  	s29 =	simm.s32 $0x9;
	_ =	strace $0x80000048  }
0xb2: {  	_ =	swait.ge [sflag:s29], $0x1  }
0xb3: {  	[sflag:s29] =	ssyncadd.s32 $0xFFFFFFFF  }
0xb4: {  	_ =	strace $0x90000048  }
0xb5: {  	_ =	sfence  }
0xb6: {  	s30 =	sld [smem:$0x0];
	_ =	sdelay $0x2  }
0xb7: {  	s31 =	sshll.u32 s1, $0xD;
	s1 =	sshrl.u32 s1, $0x2  }
0xb8: {  	s3 =	sand.u32 $0x4000, s31;
	s1 =	sadd.s32 s1, s30  }
0xb9: {  	s0 =	sor.u32 s3, s0;
	s1 =	sshll.u32 s1, $0x11  }
0xba: {  	s0 =	sor.u32 s1, s0  }
0xbb: {  	s0 =	sadd.s32 $0x8F2B, s0  }
0xbc: {  	[sflag:s0] =	ssyncadd.remote.s32 $0x1  }
0xbd: {  	_ =	sfence.sel $0xFFFF  }
0xbe: {  	[dreg:$0x0] =	wrdreg $0xFFFFFFFF;
	(pc) =	sbr.abs _section_cstart, $3  }
0xbf: {  	[dreg:$0x1] =	wrdreg $0xFFFFFFFF  }
0xc0: {  	_ =	task.clear_ibuf [dreg:s6], $0x2FFFF;
	_ =	strace $0x9FFFFFFF  }
0xc1: {  	(tm) =	ssettm $0x7FFFFFFF  }
tec
execute0_lowered:
.L_overlay_start_1:
0x0: {  	(tag) =	ssettag $0x1  }
0x1: {  	s8 =	rddreg [dreg:$0x0];
	s1 =	stileid.u32  }
0x2: {  	s2 =	srdreg.scid;
	s0 =	rddreg [dreg:$0x1]  }
0x3: {  	_ =	strace $0x80000047;
	s5 =	simm.s32 $0x1;
	s9 =	simm.s32 $0x1  }
0x4: {  	s10 =	simm.s32 $0x3;
	s2 =	sand.u32 $0x1, s2;
	s3 =	sshll.u32 s1, $0x1  }
0x5: {  	s13 =	simm.s32 $0x0;
	s12 =	simm.s32 $0x0;
	s6 =	sor.u32 s3, s2  }
0x6: {  	[sflag:s5] =	ssyncpa.u1 $0x0;
	s2 =	sadd.s32 $0x1400, s8;
	s4 =	smul.u32 $0x960, s6  }
0x7: {  	s3 =	sadd.s32 $0x1F400, s8;
	p0 =	slt.u32 s6, $0x9;
	s6 =	simm.s32 $0x12C00  }
.Ltmp0:
0x8: {  	s6 =	simm.s32 @!p0 $0x0;
	s7 =	ssub.s32 $0x17700, s4;
	(pc) =	sbr.rel .LBB2_1-.Ltmp0, $4  }
0x9: {  	s9 =	simm.s32 @!p0 $0x0;
	p0 =	sne.s32 s7, s6;
	s7 =	simm.s32 $0x1  }
0xa: {  	s8 =	sadd.s32 $0x22400, s8;
	s6 =	simm.s32 $0x2;
	s7 =	simm.s32 @!p0 $0x0  }
0xb: {  	s11 =	smov.u32 s4;
	[sflag:s6] =	ssyncpa.u1 $0x0;
	s7 =	sadd.s32 s9, s7  }
0xc: {  	vm0 =	vmmov $0xffff;
	[sflag:s10] =	ssyncpa.u1 $0x0;
	s10 =	simm.s32 $0x0;
	s9 =	sadd.s32 $0x1, s7  }
.LBB2_4:
0xd: {  	vm1 =	veq.s32 v4, $0x80000000;
	v56 =	vand.u32 $0x7, v4;
	v6 =	vand.u32 $0x7FFF, v6  }
0xe: {  	v2 =	vor.u32 v2, v5;
	v59 =	vshrl.u32 v1, $0x3;
	v60 =	vand.u32 $0x7, v1  }
0xf: {  	v4 =	vsel vm1, $0xFFFFFFFF, v56;
	v6 =	vsel vm1, $0xFFFFFFFF, v6;
	v2 =	vor.u32 v3, v2  }
0x10: {  	vm1 =	veq.s32 v1, $0x80000000;
	v5 =	vand.u32 $0x7FFF, v59;
	v7 =	vshrl.u32 v4, $0x3  }
0x11: {  	v57 =	vshll.u32 v6, $0x3;
	v4 =	vshll.u32 v4, $0x7;
	v1 =	vsel vm1, $0xFFFFFFFF, v60  }
0x12: {  	v5 =	vsel vm1, $0xFFFFFFFF, v5;
	v6 =	vand.u32 $0x7F, v6;
	v7 =	vmul.u32 $0x27400, v7  }
0x13: {  	v58 =	vand.u32 $0xFFFFFC00, v57;
	v4 =	vand.u32 $0x380, v4;
	v61 =	vshrl.u32 v1, $0x3  }
0x14: {  	v62 =	vshll.u32 v5, $0x3;
	v3 =	vadd.s32 v7, v58;
	v7 =	vmul.u32 $0x27400, v61  }
0x15: {  	v1 =	vshll.u32 v1, $0x7;
	v3 =	vor.u32 v4, v3;
	v4 =	vand.u32 $0xFFFFFC00, v62  }
0x16: {  	v1 =	vand.u32 $0x380, v1;
	v3 =	vor.u32 v6, v3;
	v4 =	vadd.s32 v7, v4  }
0x17: {  	[tilespmem:s16], [sflag:$0x1] =	stream.indirect_vreg.gather [hbm4b:s2+s10], $0x1, v0, vm0, $0x4038;
	v63 =	vand.u32 $0x7F, v5;
	v1 =	vor.u32 v1, v4;
	[tilespmem:$0x2580] =	vst v63  }
0x18: {  	s15 =	sadd.s32 $0x10, s15;
	(ifvalue) =	ssetifvalue $0x7FFFFFFF;
	v0 =	vor.u32 v63, v1  }
0x19: {  	[tilespmem:s15], [sflag:$0x1] =	stream.indirect_vreg.gather [hbm4b:s2+s10], $0x1, v2, vm0, $0x4038;
	[tilespmem:$0x2580] =	vst v63  }
0x1a: {  	s15 =	sadd.s32 $0x10, s15;
	(ifvalue) =	ssetifvalue $0x7FFFFFFF  }
0x1b: {  	[tilespmem:s15], [sflag:$0x1] =	stream.indirect_vreg.gather [hbm4b:s2+s10], $0x1, v3, vm0, $0x4038;
	[tilespmem:$0x2580] =	vst v63  }
0x1c: {  	s15 =	sadd.s32 $0x10, s15;
	(ifvalue) =	ssetifvalue $0x7FFFFFFF  }
0x1d: {  	[tilespmem:s15], [sflag:$0x1] =	stream.indirect_vreg.gather [hbm4b:s2+s10], $0x1, v0, vm0, $0x4038;
	[tilespmem:$0x2580] =	vst v63  }
0x1e: {  	_ =	swait.ge [sflag:s5], $0x960  }
0x1f: {  	s30 =	sshrl.u32 s13, $0x3;
	[sflag:s5] =	ssyncset.done $0x0  }
0x20: {  	s31 =	sand.u32 $0x7, s13;
	s15 =	sadd.s32 s8, s30;
	[sflag:s5] =	ssyncadd.s32 $0xFFFFF6A0  }
0x21: {  	[hbm4b:s15+s31] =	stream.linear.scatter [tilespmem:s14], [sflag:$0x3], $0x960, $0x38;
	[tilespmem:$0x2580] =	vst v63  }
.LBB2_5:
0x22: {  	s15 =	sadd.s32 $0x12C00, s11  }
0x23: {  	p1 =	sgt.s32 s15, $0x176FF  }
0x24: {  	s15 =	smov.u32 @p1 s4;
	p1 =	sne.s32 s12, s9  }
.Ltmp1:
0x25: {  	p0 =	slt.u32 s12, $0x2;
	(pc) =	sbr.rel @!p1 .LBB2_6-.Ltmp1, $4  }
0x26: {  	s14 =	simm.s32 @!p0 $0x3  }
0x27: {  	_ =	swait.ge @!p0 [sflag:s14], $0x960  }
0x28: {  	s16 =	sadd.s32 $0x1, s12;
	s13 =	smov.u32 s11;
	[sflag:s14] =	ssyncset.done @!p0 $0x0  }
0x29: {  	s12 =	smov.u32 s16;
	s11 =	smov.u32 s15;
	[sflag:s14] =	ssyncadd.s32 @!p0 $0xFFFFF6A0  }
.LBB2_1:
0x2a: {  	p0 =	sge.u32 s12, s7  }
0x2b: {  	s14 =	sxor.u32 @!p0 $0x1, s12  }
0x2c: {  	s14 =	smul.u32 @!p0 $0x2580, s14  }
0x2d: {  	s31 =	sadd.s32 $0xFFFFFFFF, s12;
	s15 =	sshrl.u32 @!p0 s11, $0x3  }
0x2e: {  	s16 =	sand.u32 @!p0 $0x7, s11;
	s15 =	sadd.s32 @!p0 s3, s15;
	s14 =	sshra.s32 @!p0 s14, $0x2  }
0x2f: {  	[tilespmem:s14], [sflag:$0x2] =	stream.linear.gather @!p0 [hbm4b:s15+s16], $0x960, $0x38;
	[tilespmem:$0x2580] =	vst v63  }
0x30: {  	p0 =	sge.u32 s31, s7  }
.Ltmp2:
0x31: {  	_ = 	snop;
	(pc) =	sbr.rel @p0 .LBB2_5-.Ltmp2, $1  }
0x32: {  	_ =	sdelay $0x3  }
0x33: {  	s14 =	sand.u32 $0x1, s12  }
0x34: {  	_ =	swait.ge [sflag:s6], $0x960;
	p0 =	seq.s32 s14, $0x1;
	s14 =	simm.s32 $0x960  }
0x35: {  	[sflag:s6] =	ssyncset.done $0x0;
	s14 =	simm.s32 @!p0 $0x0  }
0x36: {  	[sflag:s6] =	ssyncadd.s32 $0xFFFFF6A0;
	(ifvalue) =	ssetifvalue $0x7FFFFFFF;
	v0 =	vld.msk [tilespmem:s14+$0x0 ss:$0x1], $0xffff  }
0x37: {  	s15 =	sadd.s32 $0x10, s14  }
0x38: {  	v1 =	vld.msk [tilespmem:s15+$0x0 ss:$0x1], $0xffff;
	_ =	sdelay $0x2  }
0x39: {  	v2 =	vshrl.u32 v0, $0x3  }
0x3a: {  	vm1 =	veq.s32 v0, $0x80000000;
	v0 =	vand.u32 $0x7, v0;
	v2 =	vand.u32 $0x7FFF, v2  }
0x3b: {  	v0 =	vsel vm1, $0xFFFFFFFF, v0;
	v6 =	vshrl.u32 v1, $0x3;
	v2 =	vsel vm1, $0xFFFFFFFF, v2  }
0x3c: {  	v3 =	vshrl.u32 v0, $0x3;
	v0 =	vshll.u32 v0, $0x7;
	vm1 =	veq.s32 v1, $0x80000000  }
0x3d: {  	s15 =	sadd.s32 $0x10, s15;
	v1 =	vand.u32 $0x7, v1;
	v4 =	vshll.u32 v2, $0x3;
	v3 =	vmul.u32 $0x27400, v3  }
0x3e: {  	v0 =	vand.u32 $0x380, v0;
	v7 =	vand.u32 $0x7F, v2;
	v5 =	vand.u32 $0xFFFFFC00, v4;
	v4 =	vld.msk [tilespmem:s15+$0x0 ss:$0x1], $0xffff  }
0x3f: {  	v1 =	vsel vm1, $0xFFFFFFFF, v1;
	v2 =	vadd.s32 v3, v5;
	v3 =	vand.u32 $0x7FFF, v6  }
0x40: {  	v3 =	vsel vm1, $0xFFFFFFFF, v3;
	v0 =	vor.u32 v0, v2;
	v2 =	vshrl.u32 v1, $0x3  }
0x41: {  	v1 =	vshll.u32 v1, $0x7;
	v5 =	vshll.u32 v3, $0x3;
	v8 =	vmul.u32 $0x27400, v2  }
0x42: {  	s18 =	simm.s32 $0x30;
	s14 =	sadd.s32 $0x12C0, s14;
	s17 =	sadd.s32 $0x10, s15;
	v2 =	vand.u32 $0x380, v1;
	v0 =	vor.u32 v7, v0;
	v5 =	vand.u32 $0xFFFFFC00, v5  }
0x43: {  	s16 =	smov.u32 s14;
	s15 =	smov.u32 s14;
	v1 =	vld.msk [tilespmem:s17+$0x0 ss:$0x1], $0xffff;
	v3 =	vand.u32 $0x7F, v3;
	(ifvalue) =	ssetifvalue $0x7FFFFFFF;
	v6 =	vshrl.u32 v4, $0x3;
	v5 =	vadd.s32 v8, v5  }
.LBB2_3:
0x44: {  	s18 =	sadd.s32 $0x10, s18  }
0x45: {  	vm1 =	veq.s32 v4, $0x80000000;
	v4 =	vand.u32 $0x7, v4;
	v6 =	vand.u32 $0x7FFF, v6;
	s15 =	sadd.s32 $0x10, s15;
	p0 =	slt.u32 s18, $0x950  }
.Ltmp3:
0x46: {  	v5 =	vor.u32 v2, v5;
	v4 =	vsel vm1, $0xFFFFFFFF, v4;
	v7 =	vsel vm1, $0xFFFFFFFF, v6;
	(pc) =	sbr.rel @p0 .LBB2_3-.Ltmp3, $4  }
0x47: {  	v2 =	vshrl.u32 v4, $0x3;
	v6 =	vshll.u32 v7, $0x3;
	v4 =	vshll.u32 v4, $0x7;
	[tilespmem:s16], [sflag:$0x1] =	stream.indirect_vreg.gather [hbm4b:s2+s10], $0x1, v0, vm0, $0x4038;
	[tilespmem:$0x2580] =	vst v63  }
0x48: {  	v0 =	vor.u32 v3, v5;
	s16 =	smov.u32 s15;
	v8 =	vmul.u32 $0x27400, v2;
	v2 =	vand.u32 $0x380, v4  }
0x49: {  	s17 =	sadd.s32 $0x10, s17;
	v9 =	vand.u32 $0xFFFFFC00, v6  }
0x4a: {  	v3 =	vand.u32 $0x7F, v7;
	v6 =	vshrl.u32 v1, $0x3;
	v5 =	vadd.s32 v8, v9;
	(ifvalue) =	ssetifvalue $0x7FFFFFFF;
	v4 =	vmovc v1;
	v1 =	vld.msk [tilespmem:s17+$0x0 ss:$0x1], $0xffff  }
.Ltmp4:
0x4b: {  	_ = 	snop;
	(pc) =	sbr.rel .LBB2_4-.Ltmp4, $1  }
0x4c: {  	_ =	sdelay $0x3  }
.LBB2_6:
0x4d: {  	_ =	sfence.sel $0x180000  }
0x4e: {  	s2 =	simm.s32 $0x2;
	[bflag:$0x0] =	sbarrier.arrive $0xFFFF  }
0x4f: {  	s30 =	simm.s32 $0x3;
	[sflag:s2] =	ssyncpa.u1 $0x1  }
0x50: {  	s31 =	simm.s32 $0x1;
	[sflag:s30] =	ssyncpa.u1 $0x1  }
0x51: {  	[sflag:s31] =	ssyncpa.u1 $0x1  }
0x52: {  	p0 =	sne.s32 s1, $0x0;
	_ =	strace $0x90000047  }
0x53: {  	s0 =	sadd.s32 @!p0 $0x100000, s0;
	[bflag:$0x2] =	sbarrier.arrive $0xFFFF  }
0x54: {  	[sflag:s0] =	ssyncadd.tile.s32 @!p0 $0x1;
	_ =	shalt  }
.Lfunc_end2:
_tile_overlayer_lowered:
.L_overlay_start_2:
0x55: {  	(tag) =	ssettag $0x2  }
0x56: {  	s0 =	rddreg [dreg:$0x0];
	s2 =	stileid.u32  }
0x57: {  	s1 =	rddreg [dreg:$0x1];
	p0 =	sne.s32 s2, $0x0  }
0x58: {  	s3 =	rddreg [dreg:$0x2];
	[bflag:$0x3] =	sbarrier.arrive $0xFFFF;
	s2 =	simm.s32 @!p0 $0x1C01  }
0x59: {  	[timem:s3], [sflag:s2] =	dma.local @!p0 [hbm:s0], s1  }
0x5a: {  	s0 =	simm.s32 @!p0 $0x1  }
0x5b: {  	_ =	swait.ge @!p0 [sflag:s0], s1  }
0x5c: {  	s1 =	ssub.s32 @!p0 $0x0, s1;
	[sflag:s0] =	ssyncset.done @!p0 $0x0  }
0x5d: {  	[sflag:s0] =	ssyncadd.s32 @!p0 s1  }
0x5e: {  	[bflag:$0x3] =	sbarrier.arrive $0xFFFF  }
0x5f: {  	_ =	shalt  }

// kernel: gather_offload_async_start
scs
__scs_entry_jumppad:
0x0: {  	(pc) =	sbr.rel $0x88, $3  }
0x1: {  	(tag) =	ssettag $0x0;
	lr =	simm.s32 $0x1  }
0x2: {  	[smem:$0x3F9C] =	sst lr;
	_ =	strace $0xD0000000  }
0x3: {  	_ = 	snop  }
0x4: {  	_ = 	snop  }
0x5: {  	_ = 	snop  }
0x6: {  	_ = 	snop  }
0x7: {  	_ = 	snop  }
__scs_overlays_trampoline_lowered:
0x8: {  	[smem:$0x3FAB] =	sst s0  }
0x9: {  	[smem:$0x3FAC] =	sst s1  }
0xa: {  	[smem:$0x3FAD] =	sst s2  }
0xb: {  	[smem:$0x3FAE] =	sst s3  }
0xc: {  	[smem:$0x3FAF] =	sst s4  }
0xd: {  	[smem:$0x3FB0] =	sst s5  }
0xe: {  	[smem:$0x3FB1] =	sst s6  }
0xf: {  	[smem:$0x3FB2] =	sst s7  }
0x10: {  	[smem:$0x3FB3] =	sst s8  }
0x11: {  	[smem:$0x3FB4] =	sst s9;
	s0 =	simm.s32 @!p0 $0x0  }
0x12: {  	s1 =	sld [smem:$0x3F9A];
	s0 =	simm.s32 @p0 $0x1  }
0x13: {  	[smem:$0x3FB5] =	sst s0;
	s0 =	simm.s32 @!p1 $0x0  }
0x14: {  	s2 =	sld [smem:$0x3F99];
	s0 =	simm.s32 @p1 $0x1  }
0x15: {  	[smem:$0x3FB6] =	sst s0;
	s0 =	simm.s32 @!p2 $0x0  }
0x16: {  	s3 =	sld [smem:$0x3FDB];
	s0 =	simm.s32 @p2 $0x1  }
0x17: {  	s4 =	simm.s32 $0x1BF5;
	[smem:$0x3FB8] =	sst s0  }
0x18: {  	s0 =	sld [smem:$0x3F9B];
	_ =	swait.ge [sflag:s4], $0x0  }
0x19: {  	s7 =	sld [smem:$0x3F9C]  }
0x1a: {  	s8 =	sadd.s32 $0xFFFFE003, lr  }
0x1b: {  	s9 =	sadd.s32 $0xFFFFFEF7, lr;
	s5 =	simm.s32 $0xFFFFFFFF;
	p2 =	slt.u32 s8, $0xFFFFF086  }
0x1c: {  	p1 =	slt.u32 s9, $0xF7A;
	s5 =	simm.s32 @!p2 $0x0  }
0x1d: {  	s5 =	simm.s32 @p1 $0x1;
	p0 =	seq.s32 s7, s2  }
0x1e: {  	s7 =	smul.u32 @!p0 $0xF7A, s2;
	p2 =	seq.s32 @!p0 s5, $0x0  }
0x1f: {  	s9 =	smul.u32 $0xF7A, s1;
	s8 =	simm.s32 @!p0 $0x1BF5;
	p2 =	por !p2, p0  }
0x20: {  	[sflag:s8] =	ssyncset.s32 @!p0 $0xFFFFF086;
	s6 =	sadd.s32 @!p0 s3, s7;
	s7 =	simm.s32 @!p0 $0x108  }
0x21: {  	s3 =	sadd.s32 s3, s9;
	s6 =	sadd.s32 @!p0 $0x88, s6;
	s7 =	simm.s32 @p2 $0x1082  }
0x22: {  	[simem:s7], [sflag:s8] =	dma.local @!p0 [hbm:s6], $0xF7A  }
0x23: {  	s9 =	sor.u32 $0xD0000000, s2;
	s6 =	simm.s32 $0x108;
	_ =	swait.ge @!p0 [sflag:s8], $0x0  }
0x24: {  	s3 =	sadd.s32 $0x88, s3;
	s6 =	simm.s32 @!p1 $0x1082;
	[sflag:s4] =	ssyncset.s32 $0xFFFFF086  }
0x25: {  	[simem:s6], [sflag:s4] =	dma.local [hbm:s3], $0xF7A  }
0x26: {  	[smem:$0x3F9C] =	sst s1;
	(tag) =	ssettag s2;
	_ =	strace s9  }
0x27: {  	s1 =	sld [smem:$0x3FAC]  }
0x28: {  	s2 =	sld [smem:$0x3FAD]  }
0x29: {  	s4 =	sld [smem:$0x3FAF]  }
0x2a: {  	p0 =	seq.s32 s5, $0x0;
	s5 =	sld [smem:$0x3FB0]  }
0x2b: {  	s6 =	sld [smem:$0x3FB1]  }
0x2c: {  	s7 =	sld [smem:$0x3FB2]  }
0x2d: {  	s3 =	simm.s32 $0x108;
	s8 =	sld [smem:$0x3FB3]  }
0x2e: {  	s3 =	simm.s32 @!p0 $0x1082;
	s9 =	sld [smem:$0x3FB4]  }
0x2f: {  	lr =	sadd.s32 s0, s3;
	s0 =	sld [smem:$0x3FAB]  }
0x30: {  	s3 =	sld [smem:$0x3FAE]  }
0x31: {  	[smem:$0x3FB7] =	sst s10  }
0x32: {  	s10 =	sld [smem:$0x3FB5];
	_ =	sdelay $0x3  }
0x33: {  	p0 =	seq.s32 s10, $0x1;
	s10 =	sld [smem:$0x3FB7];
	_ =	sdelay $0x3  }
0x34: {  	[smem:$0x3FB7] =	sst s10  }
0x35: {  	s10 =	sld [smem:$0x3FB6];
	_ =	sdelay $0x3  }
0x36: {  	p1 =	seq.s32 s10, $0x1;
	s10 =	sld [smem:$0x3FB7];
	_ =	sdelay $0x3  }
0x37: {  	[smem:$0x3FB7] =	sst s10  }
0x38: {  	s10 =	sld [smem:$0x3FB8]  }
0x39: {  	_ = 	snop;
	(pc) =	sbr.ind lr, $3  }
0x3a: {  	_ = 	snop  }
0x3b: {  	_ = 	snop  }
0x3c: {  	p2 =	seq.s32 s10, $0x1;
	s10 =	sld [smem:$0x3FB7]  }
0x3d: {  	_ =	shalt  }
0x3e: {  	_ =	shalt  }
0x3f: {  	_ =	shalt  }
0x40: {  	_ =	shalt  }
0x41: {  	_ =	shalt  }
0x42: {  	_ =	shalt  }
0x43: {  	_ =	shalt  }
0x44: {  	_ =	shalt  }
0x45: {  	_ =	shalt  }
0x46: {  	_ =	shalt  }
0x47: {  	_ =	shalt  }
0x48: {  	_ =	shalt  }
0x49: {  	_ =	shalt  }
0x4a: {  	_ =	shalt  }
0x4b: {  	_ =	shalt  }
0x4c: {  	_ =	shalt  }
0x4d: {  	_ =	shalt  }
0x4e: {  	_ =	shalt  }
0x4f: {  	_ =	shalt  }
0x50: {  	_ =	shalt  }
0x51: {  	_ =	shalt  }
0x52: {  	_ =	shalt  }
0x53: {  	_ =	shalt  }
0x54: {  	_ =	shalt  }
0x55: {  	_ =	shalt  }
0x56: {  	_ =	shalt  }
0x57: {  	_ =	shalt  }
0x58: {  	_ =	shalt  }
0x59: {  	_ =	shalt  }
0x5a: {  	_ =	shalt  }
0x5b: {  	_ =	shalt  }
0x5c: {  	_ =	shalt  }
0x5d: {  	_ =	shalt  }
0x5e: {  	_ =	shalt  }
0x5f: {  	_ =	shalt  }
0x60: {  	_ =	shalt  }
0x61: {  	_ =	shalt  }
0x62: {  	_ =	shalt  }
0x63: {  	_ =	shalt  }
0x64: {  	_ =	shalt  }
0x65: {  	_ =	shalt  }
0x66: {  	_ =	shalt  }
0x67: {  	_ =	shalt  }
0x68: {  	_ =	shalt  }
0x69: {  	_ =	shalt  }
0x6a: {  	_ =	shalt  }
0x6b: {  	_ =	shalt  }
0x6c: {  	_ =	shalt  }
0x6d: {  	_ =	shalt  }
0x6e: {  	_ =	shalt  }
0x6f: {  	_ =	shalt  }
0x70: {  	_ =	shalt  }
0x71: {  	_ =	shalt  }
0x72: {  	_ =	shalt  }
0x73: {  	_ =	shalt  }
0x74: {  	_ =	shalt  }
0x75: {  	_ =	shalt  }
0x76: {  	_ =	shalt  }
0x77: {  	_ =	shalt  }
0x78: {  	_ =	shalt  }
0x79: {  	_ =	shalt  }
0x7a: {  	_ =	shalt  }
0x7b: {  	_ =	shalt  }
0x7c: {  	_ =	shalt  }
0x7d: {  	_ =	shalt  }
0x7e: {  	_ =	shalt  }
0x7f: {  	_ =	shalt  }
0x80: {  	_ =	shalt  }
0x81: {  	_ =	shalt  }
0x82: {  	_ =	shalt  }
0x83: {  	_ =	shalt  }
0x84: {  	_ =	shalt  }
0x85: {  	_ =	shalt  }
0x86: {  	_ =	shalt  }
0x87: {  	_ =	shalt  }
.Lfunc_end0:
.L_simem_size_0:
called_computation_lowered:
.L_overlay_start_0:
0x88: {  	s2 =	sld [smem:$0x3FD9]  }
0x89: {  	s3 =	sld [smem:$0x3FFE];
	_ =	sdelay $0x1  }
0x8a: {  	s1 =	srdreg.scid  }
0x8b: {  	s0 =	sand.u32 $0x1, s1  }
0x8c: {  	s16 =	sshll.u32 s0, $0xA;
	s2 =	sadd.s32 s3, s2  }
0x8d: {  	s2 =	sadd.s32 s2, s16  }
0x8e: {  	[smem:$0x3FC3] =	sst s2  }
0x8f: {  	_ = 	snop  }
0x90: {  	(tm) =	ssettm $0x1  }
0x91: {  	s17 =	sld [smem:$0x3FFB];
	_ =	sdelay $0x3  }
0x92: {  	_ =	strace s17  }
0x93: {  	s2 =	sld [smem:$0x3FFC];
	_ =	sdelay $0x3  }
0x94: {  	_ =	strace s2  }
0x95: {  	s2 =	sld [smem:$0x3FFD];
	_ =	sdelay $0x3  }
0x96: {  	_ =	strace s2  }
0x97: {  	_ =	strace $0x8FFFFFFF  }
0x98: {  	s18 =	sld [smem:$0x3FDB];
	_ =	sdelay $0x1  }
0x99: {  	s19 =	simm.s32 $_scs_section_size  }
0x9a: {  	s4 =	simm.s32 $_size__tile_overlayer_lowered;
	s5 =	simm.s32 $_tile_overlayer_lowered  }
0x9b: {  	s22 =	simm.s32 $0x1BFF;
	s21 =	sshll.u32 s5, $0x1;
	s2 =	sadd.s32 s19, s18  }
0x9c: {  	s6 =	simm.s32 $0x0;
	s20 =	sshll.u32 s4, $0x1;
	s4 =	sadd.s32 s21, s2  }
0x9d: {  	[timem:s6], [sflag:s22] =	dma.local [hbm:s4], s20  }
0x9e: {  	_ =	swait.ge [sflag:s22], s20  }
0x9f: {  	s3 =	ssub.s32 $0x0, s20;
	[sflag:s22] =	ssyncset.done $0x0  }
0xa0: {  	[sflag:s22] =	ssyncadd.s32 s3;
	_ =	sdelay $0x1  }
0xa1: {  	s23 =	simm.s32 $0x1B8B  }
0xa2: {  	_ =	swait.ge [sflag:s23], $0x1  }
0xa3: {  	[sflag:s23] =	ssyncset.done $0x0  }
0xa4: {  	s25 =	simm.s32 $0x1B8E;
	s24 =	sld [smem:$0x3FFE];
	[sflag:s23] =	ssyncadd.s32 $0xFFFFFFFF  }
0xa5: {  	s26 =	simm.s32 $execute0_lowered;
	[smem:$0x3FD2] =	sst s25  }
0xa6: {  	s4 =	sshll.u32 s26, $0x1;
	_ =	strace $0x80000049;
	[dreg:$0x1] =	wrdreg $0xFFFFFFFF  }
0xa7: {  	s28 =	simm.s32 $_size_execute0_lowered;
	s2 =	sadd.s32 s2, s4;
	[dreg:$0x0] =	wrdreg $0x0  }
0xa8: {  	s4 =	sshll.u32 s28, $0x1;
	[dreg:$0x2] =	wrdreg s2  }
0xa9: {  	[dreg:$0x3] =	wrdreg s4  }
0xaa: {  	[dreg:$0x4] =	wrdreg $0xC0  }
0xab: {  	_ =	task [dreg:s6], $0x5FFFF  }
0xac: {  	[dreg:$0x1] =	wrdreg $0xFFFFFFFF  }
0xad: {  	[dreg:$0x0] =	wrdreg $0x60  }
0xae: {  	[dreg:$0x2] =	wrdreg s24  }
0xaf: {  	[dreg:$0x3] =	wrdreg $0x9  }
0xb0: {  	_ =	task.clear_ibuf [dreg:s6], $0x4FFFF;
	_ =	strace $0x90000049  }
0xb1: {  	s29 =	simm.s32 $0x9;
	_ =	strace $0x8000004B  }
0xb2: {  	_ =	swait.ge [sflag:s29], $0x1  }
0xb3: {  	[sflag:s29] =	ssyncadd.s32 $0xFFFFFFFF  }
0xb4: {  	_ =	strace $0x9000004B  }
0xb5: {  	_ =	sfence  }
0xb6: {  	s30 =	sld [smem:$0x0];
	_ =	sdelay $0x2  }
0xb7: {  	s31 =	sshll.u32 s1, $0xD;
	s1 =	sshrl.u32 s1, $0x2  }
0xb8: {  	s3 =	sand.u32 $0x4000, s31;
	s1 =	sadd.s32 s1, s30  }
0xb9: {  	s0 =	sor.u32 s3, s0;
	s1 =	sshll.u32 s1, $0x11  }
0xba: {  	s0 =	sor.u32 s1, s0  }
0xbb: {  	s0 =	sadd.s32 $0x8F2B, s0  }
0xbc: {  	[sflag:s0] =	ssyncadd.remote.s32 $0x1  }
0xbd: {  	_ =	sfence.sel $0xFFFF  }
0xbe: {  	[dreg:$0x0] =	wrdreg $0xFFFFFFFF;
	(pc) =	sbr.abs _section_cstart, $3  }
0xbf: {  	[dreg:$0x1] =	wrdreg $0xFFFFFFFF  }
0xc0: {  	_ =	task.clear_ibuf [dreg:s6], $0x2FFFF;
	_ =	strace $0x9FFFFFFF  }
0xc1: {  	(tm) =	ssettm $0x7FFFFFFF  }
tec
execute0_lowered:
.L_overlay_start_1:
0x0: {  	(tag) =	ssettag $0x1  }
0x1: {  	s8 =	rddreg [dreg:$0x0];
	s1 =	stileid.u32  }
0x2: {  	s2 =	srdreg.scid;
	s0 =	rddreg [dreg:$0x1]  }
0x3: {  	_ =	strace $0x8000004A;
	s5 =	simm.s32 $0x1;
	s9 =	simm.s32 $0x1  }
0x4: {  	s10 =	simm.s32 $0x3;
	s2 =	sand.u32 $0x1, s2;
	s3 =	sshll.u32 s1, $0x1  }
0x5: {  	s13 =	simm.s32 $0x0;
	s12 =	simm.s32 $0x0;
	s6 =	sor.u32 s3, s2  }
0x6: {  	[sflag:s5] =	ssyncpa.u1 $0x0;
	s2 =	sadd.s32 $0x15400, s8;
	s4 =	smul.u32 $0x960, s6  }
0x7: {  	s3 =	sadd.s32 $0x1F400, s8;
	p0 =	slt.u32 s6, $0x9;
	s6 =	simm.s32 $0x12C00  }
.Ltmp0:
0x8: {  	s6 =	simm.s32 @!p0 $0x0;
	s7 =	ssub.s32 $0x17700, s4;
	(pc) =	sbr.rel .LBB2_1-.Ltmp0, $4  }
0x9: {  	s9 =	simm.s32 @!p0 $0x0;
	p0 =	sne.s32 s7, s6;
	s7 =	simm.s32 $0x1  }
0xa: {  	s8 =	sadd.s32 $0x1A400, s8;
	s6 =	simm.s32 $0x2;
	s7 =	simm.s32 @!p0 $0x0  }
0xb: {  	s11 =	smov.u32 s4;
	[sflag:s6] =	ssyncpa.u1 $0x0;
	s7 =	sadd.s32 s9, s7  }
0xc: {  	vm0 =	vmmov $0xffff;
	[sflag:s10] =	ssyncpa.u1 $0x0;
	s10 =	simm.s32 $0x0;
	s9 =	sadd.s32 $0x1, s7  }
.LBB2_4:
0xd: {  	vm1 =	veq.s32 v4, $0x80000000;
	v56 =	vand.u32 $0x7, v4;
	v6 =	vand.u32 $0x7FFF, v6  }
0xe: {  	v2 =	vor.u32 v2, v5;
	v59 =	vshrl.u32 v1, $0x3;
	v60 =	vand.u32 $0x7, v1  }
0xf: {  	v4 =	vsel vm1, $0xFFFFFFFF, v56;
	v6 =	vsel vm1, $0xFFFFFFFF, v6;
	v2 =	vor.u32 v3, v2  }
0x10: {  	vm1 =	veq.s32 v1, $0x80000000;
	v5 =	vand.u32 $0x7FFF, v59;
	v7 =	vshrl.u32 v4, $0x3  }
0x11: {  	v57 =	vshll.u32 v6, $0x3;
	v4 =	vshll.u32 v4, $0x7;
	v1 =	vsel vm1, $0xFFFFFFFF, v60  }
0x12: {  	v5 =	vsel vm1, $0xFFFFFFFF, v5;
	v6 =	vand.u32 $0x7F, v6;
	v7 =	vmul.u32 $0x27400, v7  }
0x13: {  	v58 =	vand.u32 $0xFFFFFC00, v57;
	v4 =	vand.u32 $0x380, v4;
	v61 =	vshrl.u32 v1, $0x3  }
0x14: {  	v62 =	vshll.u32 v5, $0x3;
	v3 =	vadd.s32 v7, v58;
	v7 =	vmul.u32 $0x27400, v61  }
0x15: {  	v1 =	vshll.u32 v1, $0x7;
	v3 =	vor.u32 v4, v3;
	v4 =	vand.u32 $0xFFFFFC00, v62  }
0x16: {  	v1 =	vand.u32 $0x380, v1;
	v3 =	vor.u32 v6, v3;
	v4 =	vadd.s32 v7, v4  }
0x17: {  	[tilespmem:s16], [sflag:$0x1] =	stream.indirect_vreg.gather [hbm4b:s2+s10], $0x1, v0, vm0, $0x4038;
	v63 =	vand.u32 $0x7F, v5;
	v1 =	vor.u32 v1, v4;
	[tilespmem:$0x2580] =	vst v63  }
0x18: {  	s15 =	sadd.s32 $0x10, s15;
	(ifvalue) =	ssetifvalue $0x7FFFFFFF;
	v0 =	vor.u32 v63, v1  }
0x19: {  	[tilespmem:s15], [sflag:$0x1] =	stream.indirect_vreg.gather [hbm4b:s2+s10], $0x1, v2, vm0, $0x4038;
	[tilespmem:$0x2580] =	vst v63  }
0x1a: {  	s15 =	sadd.s32 $0x10, s15;
	(ifvalue) =	ssetifvalue $0x7FFFFFFF  }
0x1b: {  	[tilespmem:s15], [sflag:$0x1] =	stream.indirect_vreg.gather [hbm4b:s2+s10], $0x1, v3, vm0, $0x4038;
	[tilespmem:$0x2580] =	vst v63  }
0x1c: {  	s15 =	sadd.s32 $0x10, s15;
	(ifvalue) =	ssetifvalue $0x7FFFFFFF  }
0x1d: {  	[tilespmem:s15], [sflag:$0x1] =	stream.indirect_vreg.gather [hbm4b:s2+s10], $0x1, v0, vm0, $0x4038;
	[tilespmem:$0x2580] =	vst v63  }
0x1e: {  	_ =	swait.ge [sflag:s5], $0x960  }
0x1f: {  	s30 =	sshrl.u32 s13, $0x3;
	[sflag:s5] =	ssyncset.done $0x0  }
0x20: {  	s31 =	sand.u32 $0x7, s13;
	s15 =	sadd.s32 s8, s30;
	[sflag:s5] =	ssyncadd.s32 $0xFFFFF6A0  }
0x21: {  	[hbm4b:s15+s31] =	stream.linear.scatter [tilespmem:s14], [sflag:$0x3], $0x960, $0x38;
	[tilespmem:$0x2580] =	vst v63  }
.LBB2_5:
0x22: {  	s15 =	sadd.s32 $0x12C00, s11  }
0x23: {  	p1 =	sgt.s32 s15, $0x176FF  }
0x24: {  	s15 =	smov.u32 @p1 s4;
	p1 =	sne.s32 s12, s9  }
.Ltmp1:
0x25: {  	p0 =	slt.u32 s12, $0x2;
	(pc) =	sbr.rel @!p1 .LBB2_6-.Ltmp1, $4  }
0x26: {  	s14 =	simm.s32 @!p0 $0x3  }
0x27: {  	_ =	swait.ge @!p0 [sflag:s14], $0x960  }
0x28: {  	s16 =	sadd.s32 $0x1, s12;
	s13 =	smov.u32 s11;
	[sflag:s14] =	ssyncset.done @!p0 $0x0  }
0x29: {  	s12 =	smov.u32 s16;
	s11 =	smov.u32 s15;
	[sflag:s14] =	ssyncadd.s32 @!p0 $0xFFFFF6A0  }
.LBB2_1:
0x2a: {  	p0 =	sge.u32 s12, s7  }
0x2b: {  	s14 =	sxor.u32 @!p0 $0x1, s12  }
0x2c: {  	s14 =	smul.u32 @!p0 $0x2580, s14  }
0x2d: {  	s31 =	sadd.s32 $0xFFFFFFFF, s12;
	s15 =	sshrl.u32 @!p0 s11, $0x3  }
0x2e: {  	s16 =	sand.u32 @!p0 $0x7, s11;
	s15 =	sadd.s32 @!p0 s3, s15;
	s14 =	sshra.s32 @!p0 s14, $0x2  }
0x2f: {  	[tilespmem:s14], [sflag:$0x2] =	stream.linear.gather @!p0 [hbm4b:s15+s16], $0x960, $0x38;
	[tilespmem:$0x2580] =	vst v63  }
0x30: {  	p0 =	sge.u32 s31, s7  }
.Ltmp2:
0x31: {  	_ = 	snop;
	(pc) =	sbr.rel @p0 .LBB2_5-.Ltmp2, $1  }
0x32: {  	_ =	sdelay $0x3  }
0x33: {  	s14 =	sand.u32 $0x1, s12  }
0x34: {  	_ =	swait.ge [sflag:s6], $0x960;
	p0 =	seq.s32 s14, $0x1;
	s14 =	simm.s32 $0x960  }
0x35: {  	[sflag:s6] =	ssyncset.done $0x0;
	s14 =	simm.s32 @!p0 $0x0  }
0x36: {  	[sflag:s6] =	ssyncadd.s32 $0xFFFFF6A0;
	(ifvalue) =	ssetifvalue $0x7FFFFFFF;
	v0 =	vld.msk [tilespmem:s14+$0x0 ss:$0x1], $0xffff  }
0x37: {  	s15 =	sadd.s32 $0x10, s14  }
0x38: {  	v1 =	vld.msk [tilespmem:s15+$0x0 ss:$0x1], $0xffff;
	_ =	sdelay $0x2  }
0x39: {  	v2 =	vshrl.u32 v0, $0x3  }
0x3a: {  	vm1 =	veq.s32 v0, $0x80000000;
	v0 =	vand.u32 $0x7, v0;
	v2 =	vand.u32 $0x7FFF, v2  }
0x3b: {  	v0 =	vsel vm1, $0xFFFFFFFF, v0;
	v6 =	vshrl.u32 v1, $0x3;
	v2 =	vsel vm1, $0xFFFFFFFF, v2  }
0x3c: {  	v3 =	vshrl.u32 v0, $0x3;
	v0 =	vshll.u32 v0, $0x7;
	vm1 =	veq.s32 v1, $0x80000000  }
0x3d: {  	s15 =	sadd.s32 $0x10, s15;
	v1 =	vand.u32 $0x7, v1;
	v4 =	vshll.u32 v2, $0x3;
	v3 =	vmul.u32 $0x27400, v3  }
0x3e: {  	v0 =	vand.u32 $0x380, v0;
	v7 =	vand.u32 $0x7F, v2;
	v5 =	vand.u32 $0xFFFFFC00, v4;
	v4 =	vld.msk [tilespmem:s15+$0x0 ss:$0x1], $0xffff  }
0x3f: {  	v1 =	vsel vm1, $0xFFFFFFFF, v1;
	v2 =	vadd.s32 v3, v5;
	v3 =	vand.u32 $0x7FFF, v6  }
0x40: {  	v3 =	vsel vm1, $0xFFFFFFFF, v3;
	v0 =	vor.u32 v0, v2;
	v2 =	vshrl.u32 v1, $0x3  }
0x41: {  	v1 =	vshll.u32 v1, $0x7;
	v5 =	vshll.u32 v3, $0x3;
	v8 =	vmul.u32 $0x27400, v2  }
0x42: {  	s18 =	simm.s32 $0x30;
	s14 =	sadd.s32 $0x12C0, s14;
	s17 =	sadd.s32 $0x10, s15;
	v2 =	vand.u32 $0x380, v1;
	v0 =	vor.u32 v7, v0;
	v5 =	vand.u32 $0xFFFFFC00, v5  }
0x43: {  	s16 =	smov.u32 s14;
	s15 =	smov.u32 s14;
	v1 =	vld.msk [tilespmem:s17+$0x0 ss:$0x1], $0xffff;
	v3 =	vand.u32 $0x7F, v3;
	(ifvalue) =	ssetifvalue $0x7FFFFFFF;
	v6 =	vshrl.u32 v4, $0x3;
	v5 =	vadd.s32 v8, v5  }
.LBB2_3:
0x44: {  	s18 =	sadd.s32 $0x10, s18  }
0x45: {  	vm1 =	veq.s32 v4, $0x80000000;
	v4 =	vand.u32 $0x7, v4;
	v6 =	vand.u32 $0x7FFF, v6;
	s15 =	sadd.s32 $0x10, s15;
	p0 =	slt.u32 s18, $0x950  }
.Ltmp3:
0x46: {  	v5 =	vor.u32 v2, v5;
	v4 =	vsel vm1, $0xFFFFFFFF, v4;
	v7 =	vsel vm1, $0xFFFFFFFF, v6;
	(pc) =	sbr.rel @p0 .LBB2_3-.Ltmp3, $4  }
0x47: {  	v2 =	vshrl.u32 v4, $0x3;
	v6 =	vshll.u32 v7, $0x3;
	v4 =	vshll.u32 v4, $0x7;
	[tilespmem:s16], [sflag:$0x1] =	stream.indirect_vreg.gather [hbm4b:s2+s10], $0x1, v0, vm0, $0x4038;
	[tilespmem:$0x2580] =	vst v63  }
0x48: {  	v0 =	vor.u32 v3, v5;
	s16 =	smov.u32 s15;
	v8 =	vmul.u32 $0x27400, v2;
	v2 =	vand.u32 $0x380, v4  }
0x49: {  	s17 =	sadd.s32 $0x10, s17;
	v9 =	vand.u32 $0xFFFFFC00, v6  }
0x4a: {  	v3 =	vand.u32 $0x7F, v7;
	v6 =	vshrl.u32 v1, $0x3;
	v5 =	vadd.s32 v8, v9;
	(ifvalue) =	ssetifvalue $0x7FFFFFFF;
	v4 =	vmovc v1;
	v1 =	vld.msk [tilespmem:s17+$0x0 ss:$0x1], $0xffff  }
.Ltmp4:
0x4b: {  	_ = 	snop;
	(pc) =	sbr.rel .LBB2_4-.Ltmp4, $1  }
0x4c: {  	_ =	sdelay $0x3  }
.LBB2_6:
0x4d: {  	_ =	sfence.sel $0x180000  }
0x4e: {  	s2 =	simm.s32 $0x2;
	[bflag:$0x0] =	sbarrier.arrive $0xFFFF  }
0x4f: {  	s30 =	simm.s32 $0x3;
	[sflag:s2] =	ssyncpa.u1 $0x1  }
0x50: {  	s31 =	simm.s32 $0x1;
	[sflag:s30] =	ssyncpa.u1 $0x1  }
0x51: {  	[sflag:s31] =	ssyncpa.u1 $0x1  }
0x52: {  	p0 =	sne.s32 s1, $0x0;
	_ =	strace $0x9000004A  }
0x53: {  	s0 =	sadd.s32 @!p0 $0x100000, s0;
	[bflag:$0x2] =	sbarrier.arrive $0xFFFF  }
0x54: {  	[sflag:s0] =	ssyncadd.tile.s32 @!p0 $0x1;
	_ =	shalt  }
.Lfunc_end2:
_tile_overlayer_lowered:
.L_overlay_start_2:
0x55: {  	(tag) =	ssettag $0x2  }
0x56: {  	s0 =	rddreg [dreg:$0x0];
	s2 =	stileid.u32  }
0x57: {  	s1 =	rddreg [dreg:$0x1];
	p0 =	sne.s32 s2, $0x0  }
0x58: {  	s3 =	rddreg [dreg:$0x2];
	[bflag:$0x3] =	sbarrier.arrive $0xFFFF;
	s2 =	simm.s32 @!p0 $0x1C01  }
0x59: {  	[timem:s3], [sflag:s2] =	dma.local @!p0 [hbm:s0], s1  }
0x5a: {  	s0 =	simm.s32 @!p0 $0x1  }
0x5b: {  	_ =	swait.ge @!p0 [sflag:s0], s1  }
0x5c: {  	s1 =	ssub.s32 @!p0 $0x0, s1;
	[sflag:s0] =	ssyncset.done @!p0 $0x0  }
0x5d: {  	[sflag:s0] =	ssyncadd.s32 @!p0 s1  }
0x5e: {  	[bflag:$0x3] =	sbarrier.arrive $0xFFFF  }
0x5f: {  	_ =	shalt  }

// kernel: kernel.5.cloned.1.call-start
scs
__scs_entry_jumppad:
0x0: {  	(pc) =	sbr.rel $0x88, $3  }
0x1: {  	(tag) =	ssettag $0x0;
	lr =	simm.s32 $0x1  }
0x2: {  	[smem:$0x3F9C] =	sst lr;
	_ =	strace $0xD0000000  }
0x3: {  	_ = 	snop  }
0x4: {  	_ = 	snop  }
0x5: {  	_ = 	snop  }
0x6: {  	_ = 	snop  }
0x7: {  	_ = 	snop  }
__scs_overlays_trampoline_lowered:
0x8: {  	[smem:$0x3FAB] =	sst s0  }
0x9: {  	[smem:$0x3FAC] =	sst s1  }
0xa: {  	[smem:$0x3FAD] =	sst s2  }
0xb: {  	[smem:$0x3FAE] =	sst s3  }
0xc: {  	[smem:$0x3FAF] =	sst s4  }
0xd: {  	[smem:$0x3FB0] =	sst s5  }
0xe: {  	[smem:$0x3FB1] =	sst s6  }
0xf: {  	[smem:$0x3FB2] =	sst s7  }
0x10: {  	[smem:$0x3FB3] =	sst s8  }
0x11: {  	[smem:$0x3FB4] =	sst s9;
	s0 =	simm.s32 @!p0 $0x0  }
0x12: {  	s1 =	sld [smem:$0x3F9A];
	s0 =	simm.s32 @p0 $0x1  }
0x13: {  	[smem:$0x3FB5] =	sst s0;
	s0 =	simm.s32 @!p1 $0x0  }
0x14: {  	s2 =	sld [smem:$0x3F99];
	s0 =	simm.s32 @p1 $0x1  }
0x15: {  	[smem:$0x3FB6] =	sst s0;
	s0 =	simm.s32 @!p2 $0x0  }
0x16: {  	s3 =	sld [smem:$0x3FDB];
	s0 =	simm.s32 @p2 $0x1  }
0x17: {  	s4 =	simm.s32 $0x1BF5;
	[smem:$0x3FB8] =	sst s0  }
0x18: {  	s0 =	sld [smem:$0x3F9B];
	_ =	swait.ge [sflag:s4], $0x0  }
0x19: {  	s7 =	sld [smem:$0x3F9C]  }
0x1a: {  	s8 =	sadd.s32 $0xFFFFE003, lr  }
0x1b: {  	s9 =	sadd.s32 $0xFFFFFEF7, lr;
	s5 =	simm.s32 $0xFFFFFFFF;
	p2 =	slt.u32 s8, $0xFFFFF086  }
0x1c: {  	p1 =	slt.u32 s9, $0xF7A;
	s5 =	simm.s32 @!p2 $0x0  }
0x1d: {  	s5 =	simm.s32 @p1 $0x1;
	p0 =	seq.s32 s7, s2  }
0x1e: {  	s7 =	smul.u32 @!p0 $0xF7A, s2;
	p2 =	seq.s32 @!p0 s5, $0x0  }
0x1f: {  	s9 =	smul.u32 $0xF7A, s1;
	s8 =	simm.s32 @!p0 $0x1BF5;
	p2 =	por !p2, p0  }
0x20: {  	[sflag:s8] =	ssyncset.s32 @!p0 $0xFFFFF086;
	s6 =	sadd.s32 @!p0 s3, s7;
	s7 =	simm.s32 @!p0 $0x108  }
0x21: {  	s3 =	sadd.s32 s3, s9;
	s6 =	sadd.s32 @!p0 $0x88, s6;
	s7 =	simm.s32 @p2 $0x1082  }
0x22: {  	[simem:s7], [sflag:s8] =	dma.local @!p0 [hbm:s6], $0xF7A  }
0x23: {  	s9 =	sor.u32 $0xD0000000, s2;
	s6 =	simm.s32 $0x108;
	_ =	swait.ge @!p0 [sflag:s8], $0x0  }
0x24: {  	s3 =	sadd.s32 $0x88, s3;
	s6 =	simm.s32 @!p1 $0x1082;
	[sflag:s4] =	ssyncset.s32 $0xFFFFF086  }
0x25: {  	[simem:s6], [sflag:s4] =	dma.local [hbm:s3], $0xF7A  }
0x26: {  	[smem:$0x3F9C] =	sst s1;
	(tag) =	ssettag s2;
	_ =	strace s9  }
0x27: {  	s1 =	sld [smem:$0x3FAC]  }
0x28: {  	s2 =	sld [smem:$0x3FAD]  }
0x29: {  	s4 =	sld [smem:$0x3FAF]  }
0x2a: {  	p0 =	seq.s32 s5, $0x0;
	s5 =	sld [smem:$0x3FB0]  }
0x2b: {  	s6 =	sld [smem:$0x3FB1]  }
0x2c: {  	s7 =	sld [smem:$0x3FB2]  }
0x2d: {  	s3 =	simm.s32 $0x108;
	s8 =	sld [smem:$0x3FB3]  }
0x2e: {  	s3 =	simm.s32 @!p0 $0x1082;
	s9 =	sld [smem:$0x3FB4]  }
0x2f: {  	lr =	sadd.s32 s0, s3;
	s0 =	sld [smem:$0x3FAB]  }
0x30: {  	s3 =	sld [smem:$0x3FAE]  }
0x31: {  	[smem:$0x3FB7] =	sst s10  }
0x32: {  	s10 =	sld [smem:$0x3FB5];
	_ =	sdelay $0x3  }
0x33: {  	p0 =	seq.s32 s10, $0x1;
	s10 =	sld [smem:$0x3FB7];
	_ =	sdelay $0x3  }
0x34: {  	[smem:$0x3FB7] =	sst s10  }
0x35: {  	s10 =	sld [smem:$0x3FB6];
	_ =	sdelay $0x3  }
0x36: {  	p1 =	seq.s32 s10, $0x1;
	s10 =	sld [smem:$0x3FB7];
	_ =	sdelay $0x3  }
0x37: {  	[smem:$0x3FB7] =	sst s10  }
0x38: {  	s10 =	sld [smem:$0x3FB8]  }
0x39: {  	_ = 	snop;
	(pc) =	sbr.ind lr, $3  }
0x3a: {  	_ = 	snop  }
0x3b: {  	_ = 	snop  }
0x3c: {  	p2 =	seq.s32 s10, $0x1;
	s10 =	sld [smem:$0x3FB7]  }
0x3d: {  	_ =	shalt  }
0x3e: {  	_ =	shalt  }
0x3f: {  	_ =	shalt  }
0x40: {  	_ =	shalt  }
0x41: {  	_ =	shalt  }
0x42: {  	_ =	shalt  }
0x43: {  	_ =	shalt  }
0x44: {  	_ =	shalt  }
0x45: {  	_ =	shalt  }
0x46: {  	_ =	shalt  }
0x47: {  	_ =	shalt  }
0x48: {  	_ =	shalt  }
0x49: {  	_ =	shalt  }
0x4a: {  	_ =	shalt  }
0x4b: {  	_ =	shalt  }
0x4c: {  	_ =	shalt  }
0x4d: {  	_ =	shalt  }
0x4e: {  	_ =	shalt  }
0x4f: {  	_ =	shalt  }
0x50: {  	_ =	shalt  }
0x51: {  	_ =	shalt  }
0x52: {  	_ =	shalt  }
0x53: {  	_ =	shalt  }
0x54: {  	_ =	shalt  }
0x55: {  	_ =	shalt  }
0x56: {  	_ =	shalt  }
0x57: {  	_ =	shalt  }
0x58: {  	_ =	shalt  }
0x59: {  	_ =	shalt  }
0x5a: {  	_ =	shalt  }
0x5b: {  	_ =	shalt  }
0x5c: {  	_ =	shalt  }
0x5d: {  	_ =	shalt  }
0x5e: {  	_ =	shalt  }
0x5f: {  	_ =	shalt  }
0x60: {  	_ =	shalt  }
0x61: {  	_ =	shalt  }
0x62: {  	_ =	shalt  }
0x63: {  	_ =	shalt  }
0x64: {  	_ =	shalt  }
0x65: {  	_ =	shalt  }
0x66: {  	_ =	shalt  }
0x67: {  	_ =	shalt  }
0x68: {  	_ =	shalt  }
0x69: {  	_ =	shalt  }
0x6a: {  	_ =	shalt  }
0x6b: {  	_ =	shalt  }
0x6c: {  	_ =	shalt  }
0x6d: {  	_ =	shalt  }
0x6e: {  	_ =	shalt  }
0x6f: {  	_ =	shalt  }
0x70: {  	_ =	shalt  }
0x71: {  	_ =	shalt  }
0x72: {  	_ =	shalt  }
0x73: {  	_ =	shalt  }
0x74: {  	_ =	shalt  }
0x75: {  	_ =	shalt  }
0x76: {  	_ =	shalt  }
0x77: {  	_ =	shalt  }
0x78: {  	_ =	shalt  }
0x79: {  	_ =	shalt  }
0x7a: {  	_ =	shalt  }
0x7b: {  	_ =	shalt  }
0x7c: {  	_ =	shalt  }
0x7d: {  	_ =	shalt  }
0x7e: {  	_ =	shalt  }
0x7f: {  	_ =	shalt  }
0x80: {  	_ =	shalt  }
0x81: {  	_ =	shalt  }
0x82: {  	_ =	shalt  }
0x83: {  	_ =	shalt  }
0x84: {  	_ =	shalt  }
0x85: {  	_ =	shalt  }
0x86: {  	_ =	shalt  }
0x87: {  	_ =	shalt  }
.Lfunc_end0:
.L_simem_size_0:
called_computation.5_lowered:
.L_overlay_start_0:
0x88: {  	s2 =	sld [smem:$0x3FD9]  }
0x89: {  	s3 =	sld [smem:$0x3FFE];
	_ =	sdelay $0x1  }
0x8a: {  	s1 =	srdreg.scid  }
0x8b: {  	s0 =	sand.u32 $0x1, s1  }
0x8c: {  	s17 =	sshll.u32 s0, $0xA;
	s2 =	sadd.s32 s3, s2  }
0x8d: {  	s2 =	sadd.s32 s2, s17  }
0x8e: {  	[smem:$0x3FC3] =	sst s2  }
0x8f: {  	_ = 	snop  }
0x90: {  	s2 =	sld [smem:$0x3FD0];
	(tm) =	ssettm $0x1  }
0x91: {  	s18 =	sld [smem:$0x3FFB];
	_ =	sdelay $0x3  }
0x92: {  	_ =	strace s18  }
0x93: {  	s3 =	sld [smem:$0x3FFC];
	_ =	sdelay $0x3  }
0x94: {  	_ =	strace s3  }
0x95: {  	s3 =	sld [smem:$0x3FFD];
	_ =	sdelay $0x3  }
0x96: {  	_ =	strace s3  }
0x97: {  	_ =	strace $0x8FFFFFFF  }
0x98: {  	s19 =	sld [smem:$0x3FDB];
	_ =	sdelay $0x1  }
0x99: {  	s4 =	simm.s32 $_scs_section_size  }
0x9a: {  	s5 =	simm.s32 $_size__tile_overlayer_lowered;
	s6 =	simm.s32 $_tile_overlayer_lowered  }
0x9b: {  	s22 =	simm.s32 $0x1BFF;
	s21 =	sshll.u32 s6, $0x1;
	s3 =	sadd.s32 s4, s19  }
0x9c: {  	s7 =	simm.s32 $0x0;
	s20 =	sshll.u32 s5, $0x1;
	s5 =	sadd.s32 s21, s3  }
0x9d: {  	[timem:s7], [sflag:s22] =	dma.local [hbm:s5], s20  }
0x9e: {  	_ =	swait.ge [sflag:s22], s20  }
0x9f: {  	s4 =	ssub.s32 $0x0, s20;
	[sflag:s22] =	ssyncset.done $0x0  }
0xa0: {  	[sflag:s22] =	ssyncadd.s32 s4;
	_ =	sdelay $0x1  }
0xa1: {  	s23 =	simm.s32 $0x1B8B  }
0xa2: {  	_ =	swait.ge [sflag:s23], $0x1  }
0xa3: {  	[sflag:s23] =	ssyncset.done $0x0  }
0xa4: {  	s25 =	simm.s32 $0x1B8E;
	s24 =	sld [smem:$0x3FFE];
	[sflag:s23] =	ssyncadd.s32 $0xFFFFFFFF  }
0xa5: {  	s26 =	simm.s32 $execute0_lowered;
	[smem:$0x3FD2] =	sst s25  }
0xa6: {  	s5 =	sshll.u32 s26, $0x1;
	_ =	strace $0x80000055;
	[dreg:$0x1] =	wrdreg $0xFFFFFFFF  }
0xa7: {  	s28 =	simm.s32 $_size_execute0_lowered;
	s3 =	sadd.s32 s3, s5;
	[dreg:$0x0] =	wrdreg $0x0  }
0xa8: {  	s5 =	sshll.u32 s28, $0x1;
	[dreg:$0x2] =	wrdreg s3  }
0xa9: {  	[dreg:$0x3] =	wrdreg s5  }
0xaa: {  	[dreg:$0x4] =	wrdreg $0xC0  }
0xab: {  	_ =	task [dreg:s7], $0x5FFFF  }
0xac: {  	[dreg:$0x1] =	wrdreg $0xFFFFFFFF  }
0xad: {  	[dreg:$0x0] =	wrdreg $0x60  }
0xae: {  	[dreg:$0x2] =	wrdreg s24  }
0xaf: {  	[dreg:$0x3] =	wrdreg s2  }
0xb0: {  	[dreg:$0x4] =	wrdreg $0x9  }
0xb1: {  	_ =	task.clear_ibuf [dreg:s7], $0x5FFFF;
	_ =	strace $0x90000055  }
0xb2: {  	s29 =	simm.s32 $0x9;
	_ =	strace $0x80000057  }
0xb3: {  	_ =	swait.ge [sflag:s29], $0x1  }
0xb4: {  	[sflag:s29] =	ssyncadd.s32 $0xFFFFFFFF  }
0xb5: {  	_ =	strace $0x90000057  }
0xb6: {  	_ =	sfence  }
0xb7: {  	s30 =	sld [smem:$0x0];
	_ =	sdelay $0x2  }
0xb8: {  	s31 =	sshll.u32 s1, $0xD;
	s1 =	sshrl.u32 s1, $0x2  }
0xb9: {  	s3 =	sand.u32 $0x4000, s31;
	s1 =	sadd.s32 s1, s30  }
0xba: {  	s0 =	sor.u32 s3, s0;
	s1 =	sshll.u32 s1, $0x11  }
0xbb: {  	s0 =	sor.u32 s1, s0  }
0xbc: {  	s0 =	sadd.s32 $0x8F2B, s0  }
0xbd: {  	[sflag:s0] =	ssyncadd.remote.s32 $0x1  }
0xbe: {  	_ =	sfence.sel $0xFFFF  }
0xbf: {  	[dreg:$0x0] =	wrdreg $0xFFFFFFFF;
	(pc) =	sbr.abs _section_cstart, $3  }
0xc0: {  	[dreg:$0x1] =	wrdreg $0xFFFFFFFF  }
0xc1: {  	_ =	task.clear_ibuf [dreg:s7], $0x2FFFF;
	_ =	strace $0x9FFFFFFF  }
0xc2: {  	(tm) =	ssettm $0x7FFFFFFF  }
0xc3: {  	_ =	shalt  }
tec
execute0_lowered:
.L_overlay_start_1:
0x0: {  	(tag) =	ssettag $0x1  }
0x1: {  	s1 =	stileid.u32  }
0x2: {  	p0 =	sgt.u32 s1, $0x3  }
.Ltmp0:
0x3: {  	_ = 	snop;
	(pc) =	sbr.rel @p0 .LBB2_5-.Ltmp0, $4  }
0x4: {  	s3 =	rddreg [dreg:$0x0]  }
0x5: {  	s8 =	rddreg [dreg:$0x1];
	s2 =	simm.s32 $0x0  }
0x6: {  	[smem:$0x7FF] =	sst s2  }
0x7: {  	s0 =	rddreg [dreg:$0x2];
	_ =	strace $0x80000056  }
0x8: {  	s4 =	srdreg.scid;
	s30 =	sshll.u32 s1, $0x1  }
0x9: {  	s10 =	sadd.s32 $0x1400, s3;
	s14 =	simm.s32 $0x9000;
	s5 =	sand.u32 $0x1, s4  }
0xa: {  	s15 =	simm.s32 $0xC000;
	s6 =	sor.u32 s5, s30;
	s12 =	ssub.s32 $0x2, s5  }
0xb: {  	s16 =	simm.s32 $0xF000;
	s9 =	smul.u32 $0x600, s6;
	s13 =	sshrl.u32 s12, $0x1  }
0xc: {  	s17 =	simm.s32 $0x0;
	s11 =	smul.u32 $0x3E8, s6;
	s31 =	ssub.s32 s12, s13  }
0xd: {  	s12 =	simm.s32 $0x3000;
	s13 =	simm.s32 $0x6000;
	s7 =	sadd.s32 s9, s3  }
0xe: {  	s3 =	sadd.s32 $0x10400, s3;
	s8 =	sadd.s32 s8, s11;
	s9 =	sadd.s32 s10, s9  }
0xf: {  	s10 =	smax.u32 s31, $0x1;
	s11 =	simm.s32 $0x1;
	s4 =	sadd.s32 $0xD400, s7  }
0x10: {  	s5 =	sadd.s32 $0xA400, s7;
	s6 =	sadd.s32 $0x7400, s7;
	s7 =	sadd.s32 $0x4400, s7  }
.LBB2_2:
0x11: {  	s18 =	simm.s32 $0x0  }
0x12: {  	[tilespmem:s18], [sflag:$0x1] =	stream.linear.gather [hbm4b:s9+s18], $0x3000, $0x38;
	[tilespmem:$0x11000] =	vst v63  }
0x13: {  	_ =	swait.ge [sflag:s11], $0x3000  }
0x14: {  	[sflag:s11] =	ssyncset.done $0x0  }
0x15: {  	[sflag:s11] =	ssyncadd.s32 $0xFFFFD000  }
0x16: {  	[tilespmem:s12], [sflag:$0x1] =	stream.linear.gather [hbm4b:s4+s18], $0x3000, $0x38;
	[tilespmem:$0x11000] =	vst v63  }
0x17: {  	_ =	swait.ge [sflag:s11], $0x3000  }
0x18: {  	[sflag:s11] =	ssyncset.done $0x0  }
0x19: {  	[sflag:s11] =	ssyncadd.s32 $0xFFFFD000  }
0x1a: {  	[tilespmem:s13], [sflag:$0x1] =	stream.linear.gather [hbm4b:s5+s18], $0x3000, $0x38;
	[tilespmem:$0x11000] =	vst v63  }
0x1b: {  	_ =	swait.ge [sflag:s11], $0x3000  }
0x1c: {  	[sflag:s11] =	ssyncset.done $0x0  }
0x1d: {  	[sflag:s11] =	ssyncadd.s32 $0xFFFFD000  }
0x1e: {  	[tilespmem:s14], [sflag:$0x1] =	stream.linear.gather [hbm4b:s6+s18], $0x3000, $0x38;
	[tilespmem:$0x11000] =	vst v63  }
0x1f: {  	_ =	swait.ge [sflag:s11], $0x3000  }
0x20: {  	[sflag:s11] =	ssyncset.done $0x0  }
0x21: {  	[sflag:s11] =	ssyncadd.s32 $0xFFFFD000  }
0x22: {  	[tilespmem:s15], [sflag:$0x1] =	stream.linear.gather [hbm4b:s7+s18], $0x3000, $0x38;
	[tilespmem:$0x11000] =	vst v63  }
0x23: {  	_ =	swait.ge [sflag:s11], $0x3000  }
0x24: {  	[sflag:s11] =	ssyncset.done $0x0  }
0x25: {  	[sflag:s11] =	ssyncadd.s32 $0xFFFFD000  }
0x26: {  	[tilespmem:s16], [sflag:$0x1] =	stream.linear.gather [hbm4b:s3+s18], $0x2000, $0x38;
	[tilespmem:$0x11000] =	vst v63  }
0x27: {  	_ =	swait.ge [sflag:s11], $0x2000  }
0x28: {  	[sflag:s11] =	ssyncset.done $0x0  }
0x29: {  	s19 =	simm.s32 $0x40;
	s18 =	simm.s32 $0x0;
	[sflag:s11] =	ssyncadd.s32 $0xFFFFE000  }
.LBB2_3:
0x2a: {  	p0 =	sne.s32 s19, $0xBFC0;
	v0 =	vld [tilespmem:s18+$0x0]  }
0x2b: {  	v1 =	vld [tilespmem:s18+$0x3000];
	_ =	sdelay $0x3  }
0x2c: {  	v0 =	vshll.u32 v0, $0x2;
	_ =	sdelay $0x4  }
0x2d: {  	[tilespmem:v0+s16+$0x0] =	vst.idx.msk $0xffff, v1  }
0x2e: {  	v2 =	vor.u32 $0x1, v0;
	v1 =	vld [tilespmem:s18+$0x6000];
	_ =	sdelay $0x4  }
0x2f: {  	[tilespmem:v2+s16+$0x0] =	vst.idx.msk $0xffff, v1  }
0x30: {  	v2 =	vor.u32 $0x2, v0;
	v1 =	vld [tilespmem:s18+$0x9000];
	_ =	sdelay $0x4  }
0x31: {  	[tilespmem:v2+s16+$0x0] =	vst.idx.msk $0xffff, v1  }
0x32: {  	v0 =	vor.u32 $0x3, v0;
	v1 =	vld [tilespmem:s18+$0xC000]  }
.Ltmp1:
0x33: {  	(pc) =	sbr.rel @p0 .LBB2_3-.Ltmp1, $2  }
0x34: {  	_ =	sdelay $0x2  }
0x35: {  	s18 =	sshra.s32 s19, $0x2;
	s19 =	sadd.s32 $0x40, s19;
	[tilespmem:v0+s16+$0x0] =	vst.idx.msk $0xffff, v1  }
0x36: {  	v0 =	vld [tilespmem:s18+$0x0];
	_ =	sdelay $0x4  }
0x37: {  	v1 =	vld [tilespmem:s18+$0x3000];
	v0 =	vshll.u32 v0, $0x2;
	_ =	sdelay $0x4  }
0x38: {  	[tilespmem:v0+s16+$0x0] =	vst.idx.msk $0xffff, v1  }
0x39: {  	v2 =	vor.u32 $0x1, v0;
	v1 =	vld [tilespmem:s18+$0x6000];
	_ =	sdelay $0x4  }
0x3a: {  	[tilespmem:v2+s16+$0x0] =	vst.idx.msk $0xffff, v1  }
0x3b: {  	v63 =	vor.u32 $0x2, v0;
	v1 =	vld [tilespmem:s18+$0x9000];
	_ =	sdelay $0x4  }
0x3c: {  	[tilespmem:v63+s16+$0x0] =	vst.idx.msk $0xffff, v1  }
0x3d: {  	v0 =	vor.u32 $0x3, v0;
	v1 =	vld [tilespmem:s18+$0xC000];
	_ =	sdelay $0x2  }
0x3e: {  	s17 =	sadd.s32 $0x1, s17  }
0x3f: {  	p0 =	sne.s32 s17, s10  }
.Ltmp2:
0x40: {  	[tilespmem:v0+s16+$0x0] =	vst.idx.msk $0xffff, v1;
	(pc) =	sbr.rel @p0 .LBB2_2-.Ltmp2, $4  }
0x41: {  	[hbm4b:s8+s2] =	stream.linear.scatter [tilespmem:s16], [sflag:$0x1], $0x1F40, $0x38;
	[tilespmem:$0x11000] =	vst v63  }
0x42: {  	_ =	swait.ge [sflag:s11], $0x1F40  }
0x43: {  	[sflag:s11] =	ssyncset.done $0x0  }
0x44: {  	[sflag:s11] =	ssyncadd.s32 $0xFFFFE0C0  }
.LBB2_5:
0x45: {  	_ =	sfence.sel $0x180000  }
0x46: {  	[bflag:$0x0] =	sbarrier.arrive $0xFFFF  }
0x47: {  	p0 =	sne.s32 s1, $0x0;
	_ =	strace $0x90000056  }
0x48: {  	s0 =	sadd.s32 @!p0 $0x100000, s0;
	[bflag:$0x2] =	sbarrier.arrive $0xFFFF  }
0x49: {  	[sflag:s0] =	ssyncadd.tile.s32 @!p0 $0x1;
	_ =	shalt  }
.Lfunc_end2:
_tile_overlayer_lowered:
.L_overlay_start_2:
0x4a: {  	(tag) =	ssettag $0x2  }
0x4b: {  	s0 =	rddreg [dreg:$0x0];
	s2 =	stileid.u32  }
0x4c: {  	s1 =	rddreg [dreg:$0x1];
	p0 =	sne.s32 s2, $0x0  }
0x4d: {  	s3 =	rddreg [dreg:$0x2];
	[bflag:$0x3] =	sbarrier.arrive $0xFFFF;
	s2 =	simm.s32 @!p0 $0x1C01  }
0x4e: {  	[timem:s3], [sflag:s2] =	dma.local @!p0 [hbm:s0], s1  }
0x4f: {  	s0 =	simm.s32 @!p0 $0x1  }
0x50: {  	_ =	swait.ge @!p0 [sflag:s0], s1  }
0x51: {  	s1 =	ssub.s32 @!p0 $0x0, s1;
	[sflag:s0] =	ssyncset.done @!p0 $0x0  }
0x52: {  	[sflag:s0] =	ssyncadd.s32 @!p0 s1  }
0x53: {  	[bflag:$0x3] =	sbarrier.arrive $0xFFFF  }
0x54: {  	_ =	shalt  }

</sc_bundles>
